<compile_context>
chip_gen: v7x
topology: tpu7x:2x2x1
jax: 0.10.2.dev20260603
libtpu: 0.0.44.dev20260713+nightly
codegen_flags: <defaults>
</compile_context>

<pallas_src>
import functools

import jax
import jax.numpy as jnp
from jax import lax
from jax.experimental import pallas as pl
from jax.experimental.pallas import tpu as pltpu
from jax.experimental.pallas import tpu_sc as plsc

_D = 128
_NW = 32
_NBUF = 8


@functools.lru_cache(maxsize=None)
def _build(batch: int, hist: int, vocab: int):
    b_per_w = batch // _NW
    assert batch % _NW == 0 and b_per_w % _NBUF == 0 and hist <= 128

    mesh = plsc.VectorSubcoreMesh(core_axis_name="c", subcore_axis_name="s")

    @functools.partial(
        pl.kernel,
        out_type=jax.ShapeDtypeStruct((batch, hist, _D), jnp.float32),
        mesh=mesh,
        scratch_types=[
            pltpu.VMEM((b_per_w, hist), jnp.int32),
            pltpu.VMEM((_NBUF, hist, _D), jnp.float32),
        ] + [pltpu.SemaphoreType.DMA] * (2 * _NBUF),
        compiler_params=pltpu.CompilerParams(
            use_tc_tiling_on_sc=True, skip_device_barrier=True
        ),
    )
    def gather_kernel(idx_hbm, table_hbm, out_hbm, idx_v, rows_v, *sems):
        gsems = sems[:_NBUF]
        osems = sems[_NBUF:]
        wid = lax.axis_index("s") * 2 + lax.axis_index("c")
        base = wid * b_per_w

        pltpu.sync_copy(idx_hbm.at[pl.ds(base, b_per_w)], idx_v)

        for b in range(_NBUF):
            pltpu.async_copy(table_hbm.at[idx_v.at[b]], rows_v.at[b], gsems[b])

        @pl.loop(_NBUF, b_per_w, step=_NBUF)
        def _(j0):
            for b in range(_NBUF):
                j = j0 + b
                pltpu.make_async_copy(
                    table_hbm.at[idx_v.at[b]], rows_v.at[b], gsems[b]
                ).wait()
                dst = out_hbm.at[base + j - _NBUF]
                pltpu.async_copy(rows_v.at[b], dst, osems[b])
                pltpu.make_async_copy(rows_v.at[b], dst, osems[b]).wait()
                pltpu.async_copy(table_hbm.at[idx_v.at[j]], rows_v.at[b], gsems[b])

        for b in range(_NBUF):
            j = b_per_w - _NBUF + b
            pltpu.make_async_copy(
                table_hbm.at[idx_v.at[b]], rows_v.at[b], gsems[b]
            ).wait()
            pltpu.sync_copy(rows_v.at[b], out_hbm.at[base + j])

    return gather_kernel


@jax.jit
def kernel(indices, table):
    batch, hist = indices.shape
    vocab, dim = table.shape
    assert dim == _D
    fn = _build(batch, hist, vocab)
    return fn(indices.astype(jnp.int32), table)

# --- scband reference (transcript-rebuilt; emitter-appended) ---
"""Pipeline reference for scband-glo-ve-31439160606888 (READ-ONLY COPY).

The authoritative reference and input builder live on the scoring server;
editing this copy changes nothing except your own understanding.
"""

import jax, jax.numpy as jnp
import numpy as np

VOCAB = 100001  # 100000 words + <UNK> row at index 0
EMBED_DIM = 128
BATCH = 4096
HIST = 50

def setup_inputs(seed: int = 0) -> dict:
    key = jax.random.key(seed)
    k_idx, k_tab = jax.random.split(key)
    indices = jax.random.randint(k_idx, (BATCH, HIST), 0, VOCAB, dtype=jnp.int64)
    # Embedding table: row 0 is the zero <UNK> row, rest are pretrained GloVe vectors
    tab = jax.random.normal(k_tab, (VOCAB, EMBED_DIM), dtype=jnp.float32) * 0.1
    table = tab.at[0].set(jnp.zeros((EMBED_DIM,), dtype=jnp.float32))
    return {"indices": indices, "table": table}

def reference(indices, table):
    # Faithful translation of forward: nn.Embedding lookup
    return jnp.take(table, indices, axis=0)

if __name__ == "__main__":
    import jax
    _d = setup_inputs()
    print(jax.jit(kernel)(*tuple(_d.values())))

</pallas_src>

<mosaic_0001>
#map = affine_map<(d0, d1) -> (0, 0)>
#map1 = affine_map<(d0, d1) -> (0, 0, 0)>
module attributes {stable_mosaic.version = 14 : i64} {
  func.func @gather_kernel(%arg0: i32, %arg1: i32, %arg2: memref<4096x50xi32, #tpu.memory_space<hbm>>, %arg3: memref<100001x128xf32, #tpu.memory_space<hbm>>, %arg4: memref<4096x50x128xf32, #tpu.memory_space<hbm>>, %arg5: memref<128x50xi32, #tpu.memory_space<vmem>>, %arg6: memref<8x50x128xf32, #tpu.memory_space<vmem>>, %arg7: memref<!tpu.dma_semaphore, #tpu.memory_space<semaphore_mem>>, %arg8: memref<!tpu.dma_semaphore, #tpu.memory_space<semaphore_mem>>, %arg9: memref<!tpu.dma_semaphore, #tpu.memory_space<semaphore_mem>>, %arg10: memref<!tpu.dma_semaphore, #tpu.memory_space<semaphore_mem>>, %arg11: memref<!tpu.dma_semaphore, #tpu.memory_space<semaphore_mem>>, %arg12: memref<!tpu.dma_semaphore, #tpu.memory_space<semaphore_mem>>, %arg13: memref<!tpu.dma_semaphore, #tpu.memory_space<semaphore_mem>>, %arg14: memref<!tpu.dma_semaphore, #tpu.memory_space<semaphore_mem>>, %arg15: memref<!tpu.dma_semaphore, #tpu.memory_space<semaphore_mem>>, %arg16: memref<!tpu.dma_semaphore, #tpu.memory_space<semaphore_mem>>, %arg17: memref<!tpu.dma_semaphore, #tpu.memory_space<semaphore_mem>>, %arg18: memref<!tpu.dma_semaphore, #tpu.memory_space<semaphore_mem>>, %arg19: memref<!tpu.dma_semaphore, #tpu.memory_space<semaphore_mem>>, %arg20: memref<!tpu.dma_semaphore, #tpu.memory_space<semaphore_mem>>, %arg21: memref<!tpu.dma_semaphore, #tpu.memory_space<semaphore_mem>>, %arg22: memref<!tpu.dma_semaphore, #tpu.memory_space<semaphore_mem>>) attributes {dimension_semantics = [#tpu.dimension_semantics<core_parallel>, #tpu.dimension_semantics<subcore_parallel>], iteration_bounds = array<i64: 2, 16>, scalar_prefetch = 0 : i64, scratch_operands = 18 : i64, tpu.core_type = #tpu.core_type<sc_vector_subcore>, window_params = [{transform_indices = #map}, {transform_indices = #map}, {transform_indices = #map1}]} {
    %mul3A = arith.constant 2 : i32
    %mul3A_0 = arith.muli %arg1, %mul3A : i32
    %add3A = arith.addi %mul3A_0, %arg0 : i32
    %mul3A_1 = arith.constant 128 : i32
    %mul3A_2 = arith.muli %add3A, %mul3A_1 : i32
    "tpu.region"() ({
      %run_scoped3A_220 = tpu.sem_alloc : memref<!tpu.dma_semaphore, #tpu.memory_space<semaphore_mem>>
      %dma_start3A_221 = arith.constant 0 : i32
      %dma_start3A_222 = tpu.memref_slice %arg2[%mul3A_2, %dma_start3A_221] : memref<4096x50xi32, #tpu.memory_space<hbm>> -> memref<128x50xi32, #tpu.memory_space<hbm>>
      %dma_start3A_223 = arith.constant 0 : i32
      %dma_start3A_224 = tpu.memref_slice %arg2[%mul3A_2, %dma_start3A_223] : memref<4096x50xi32, #tpu.memory_space<hbm>> -> memref<128x50xi32, #tpu.memory_space<hbm>>
      tpu.enqueue_dma source(%dma_start3A_224 : memref<128x50xi32, #tpu.memory_space<hbm>>) target(%arg5 : memref<128x50xi32, #tpu.memory_space<vmem>>) target_semaphore(%run_scoped3A_220 : memref<!tpu.dma_semaphore, #tpu.memory_space<semaphore_mem>>)
      %dma_wait3A_225 = arith.constant 0 : i32
      %dma_wait3A_226 = tpu.memref_slice %arg2[%mul3A_2, %dma_wait3A_225] : memref<4096x50xi32, #tpu.memory_space<hbm>> -> memref<128x50xi32, #tpu.memory_space<hbm>>
      %dma_wait3A_227 = arith.constant 0 : i32
      %dma_wait3A_228 = tpu.memref_slice %arg2[%mul3A_2, %dma_wait3A_227] : memref<4096x50xi32, #tpu.memory_space<hbm>> -> memref<128x50xi32, #tpu.memory_space<hbm>>
      tpu.wait_dma2 semaphore(%run_scoped3A_220 : memref<!tpu.dma_semaphore, #tpu.memory_space<semaphore_mem>>) src(%dma_wait3A_228 : memref<128x50xi32, #tpu.memory_space<hbm>>) dst(%arg5 : memref<128x50xi32, #tpu.memory_space<vmem>>)
      tpu.yield
    }) : () -> ()
    %dma_start3A = arith.constant 0 : i32
    %dma_start3A_3 = arith.constant 0 : i32
    %dma_start3A_4 = arith.constant 0 : i32
    %dma_start3A_5 = arith.constant 0 : i32
    %dma_start3A_6 = tpu.memref_slice %arg6[%dma_start3A_3, %dma_start3A_4, %dma_start3A_5] : memref<8x50x128xf32, #tpu.memory_space<vmem>> -> memref<1x50x128xf32, #tpu.memory_space<vmem>>
    %dma_start3A_7 = tpu.memref_squeeze %dma_start3A_6 : memref<1x50x128xf32, #tpu.memory_space<vmem>> -> memref<50x128xf32, #tpu.memory_space<vmem>>
    %dma_start3A_8 = arith.constant 0 : i32
    %dma_start3A_9 = tpu.memref_slice %arg5[%dma_start3A, %dma_start3A_8] : memref<128x50xi32, #tpu.memory_space<vmem>> -> memref<1x50xi32, #tpu.memory_space<vmem>>
    %dma_start3A_10 = tpu.memref_squeeze %dma_start3A_9 : memref<1x50xi32, #tpu.memory_space<vmem>> -> memref<50xi32, #tpu.memory_space<vmem>>
    %dma_start3A_11 = arith.constant 0 : i32
    %dma_start3A_12 = arith.constant 0 : i32
    %dma_start3A_13 = tpu.memref_slice %arg3[%dma_start3A_11, %dma_start3A_12] : memref<100001x128xf32, #tpu.memory_space<hbm>> -> memref<100001x128xf32, #tpu.memory_space<hbm>>
    tpu.enqueue_indirect_dma source(%dma_start3A_13 : memref<100001x128xf32, #tpu.memory_space<hbm>>) target(%dma_start3A_7 : memref<50x128xf32, #tpu.memory_space<vmem>>) offsets(%dma_start3A_10 : memref<50xi32, #tpu.memory_space<vmem>>) semaphore(%arg7 : memref<!tpu.dma_semaphore, #tpu.memory_space<semaphore_mem>>)
    %dma_start3A_14 = arith.constant 1 : i32
    %dma_start3A_15 = arith.constant 1 : i32
    %dma_start3A_16 = arith.constant 0 : i32
    %dma_start3A_17 = arith.constant 0 : i32
    %dma_start3A_18 = tpu.memref_slice %arg6[%dma_start3A_15, %dma_start3A_16, %dma_start3A_17] : memref<8x50x128xf32, #tpu.memory_space<vmem>> -> memref<1x50x128xf32, #tpu.memory_space<vmem>>
    %dma_start3A_19 = tpu.memref_squeeze %dma_start3A_18 : memref<1x50x128xf32, #tpu.memory_space<vmem>> -> memref<50x128xf32, #tpu.memory_space<vmem>>
    %dma_start3A_20 = arith.constant 0 : i32
    %dma_start3A_21 = tpu.memref_slice %arg5[%dma_start3A_14, %dma_start3A_20] : memref<128x50xi32, #tpu.memory_space<vmem>> -> memref<1x50xi32, #tpu.memory_space<vmem>>
    %dma_start3A_22 = tpu.memref_squeeze %dma_start3A_21 : memref<1x50xi32, #tpu.memory_space<vmem>> -> memref<50xi32, #tpu.memory_space<vmem>>
    %dma_start3A_23 = arith.constant 0 : i32
    %dma_start3A_24 = arith.constant 0 : i32
    %dma_start3A_25 = tpu.memref_slice %arg3[%dma_start3A_23, %dma_start3A_24] : memref<100001x128xf32, #tpu.memory_space<hbm>> -> memref<100001x128xf32, #tpu.memory_space<hbm>>
    tpu.enqueue_indirect_dma source(%dma_start3A_25 : memref<100001x128xf32, #tpu.memory_space<hbm>>) target(%dma_start3A_19 : memref<50x128xf32, #tpu.memory_space<vmem>>) offsets(%dma_start3A_22 : memref<50xi32, #tpu.memory_space<vmem>>) semaphore(%arg8 : memref<!tpu.dma_semaphore, #tpu.memory_space<semaphore_mem>>)
    %dma_start3A_26 = arith.constant 2 : i32
    %dma_start3A_27 = arith.constant 2 : i32
    %dma_start3A_28 = arith.constant 0 : i32
    %dma_start3A_29 = arith.constant 0 : i32
    %dma_start3A_30 = tpu.memref_slice %arg6[%dma_start3A_27, %dma_start3A_28, %dma_start3A_29] : memref<8x50x128xf32, #tpu.memory_space<vmem>> -> memref<1x50x128xf32, #tpu.memory_space<vmem>>
    %dma_start3A_31 = tpu.memref_squeeze %dma_start3A_30 : memref<1x50x128xf32, #tpu.memory_space<vmem>> -> memref<50x128xf32, #tpu.memory_space<vmem>>
    %dma_start3A_32 = arith.constant 0 : i32
    %dma_start3A_33 = tpu.memref_slice %arg5[%dma_start3A_26, %dma_start3A_32] : memref<128x50xi32, #tpu.memory_space<vmem>> -> memref<1x50xi32, #tpu.memory_space<vmem>>
    %dma_start3A_34 = tpu.memref_squeeze %dma_start3A_33 : memref<1x50xi32, #tpu.memory_space<vmem>> -> memref<50xi32, #tpu.memory_space<vmem>>
    %dma_start3A_35 = arith.constant 0 : i32
    %dma_start3A_36 = arith.constant 0 : i32
    %dma_start3A_37 = tpu.memref_slice %arg3[%dma_start3A_35, %dma_start3A_36] : memref<100001x128xf32, #tpu.memory_space<hbm>> -> memref<100001x128xf32, #tpu.memory_space<hbm>>
    tpu.enqueue_indirect_dma source(%dma_start3A_37 : memref<100001x128xf32, #tpu.memory_space<hbm>>) target(%dma_start3A_31 : memref<50x128xf32, #tpu.memory_space<vmem>>) offsets(%dma_start3A_34 : memref<50xi32, #tpu.memory_space<vmem>>) semaphore(%arg9 : memref<!tpu.dma_semaphore, #tpu.memory_space<semaphore_mem>>)
    %dma_start3A_38 = arith.constant 3 : i32
    %dma_start3A_39 = arith.constant 3 : i32
    %dma_start3A_40 = arith.constant 0 : i32
    %dma_start3A_41 = arith.constant 0 : i32
    %dma_start3A_42 = tpu.memref_slice %arg6[%dma_start3A_39, %dma_start3A_40, %dma_start3A_41] : memref<8x50x128xf32, #tpu.memory_space<vmem>> -> memref<1x50x128xf32, #tpu.memory_space<vmem>>
    %dma_start3A_43 = tpu.memref_squeeze %dma_start3A_42 : memref<1x50x128xf32, #tpu.memory_space<vmem>> -> memref<50x128xf32, #tpu.memory_space<vmem>>
    %dma_start3A_44 = arith.constant 0 : i32
    %dma_start3A_45 = tpu.memref_slice %arg5[%dma_start3A_38, %dma_start3A_44] : memref<128x50xi32, #tpu.memory_space<vmem>> -> memref<1x50xi32, #tpu.memory_space<vmem>>
    %dma_start3A_46 = tpu.memref_squeeze %dma_start3A_45 : memref<1x50xi32, #tpu.memory_space<vmem>> -> memref<50xi32, #tpu.memory_space<vmem>>
    %dma_start3A_47 = arith.constant 0 : i32
    %dma_start3A_48 = arith.constant 0 : i32
    %dma_start3A_49 = tpu.memref_slice %arg3[%dma_start3A_47, %dma_start3A_48] : memref<100001x128xf32, #tpu.memory_space<hbm>> -> memref<100001x128xf32, #tpu.memory_space<hbm>>
    tpu.enqueue_indirect_dma source(%dma_start3A_49 : memref<100001x128xf32, #tpu.memory_space<hbm>>) target(%dma_start3A_43 : memref<50x128xf32, #tpu.memory_space<vmem>>) offsets(%dma_start3A_46 : memref<50xi32, #tpu.memory_space<vmem>>) semaphore(%arg10 : memref<!tpu.dma_semaphore, #tpu.memory_space<semaphore_mem>>)
    %dma_start3A_50 = arith.constant 4 : i32
    %dma_start3A_51 = arith.constant 4 : i32
    %dma_start3A_52 = arith.constant 0 : i32
    %dma_start3A_53 = arith.constant 0 : i32
    %dma_start3A_54 = tpu.memref_slice %arg6[%dma_start3A_51, %dma_start3A_52, %dma_start3A_53] : memref<8x50x128xf32, #tpu.memory_space<vmem>> -> memref<1x50x128xf32, #tpu.memory_space<vmem>>
    %dma_start3A_55 = tpu.memref_squeeze %dma_start3A_54 : memref<1x50x128xf32, #tpu.memory_space<vmem>> -> memref<50x128xf32, #tpu.memory_space<vmem>>
    %dma_start3A_56 = arith.constant 0 : i32
    %dma_start3A_57 = tpu.memref_slice %arg5[%dma_start3A_50, %dma_start3A_56] : memref<128x50xi32, #tpu.memory_space<vmem>> -> memref<1x50xi32, #tpu.memory_space<vmem>>
    %dma_start3A_58 = tpu.memref_squeeze %dma_start3A_57 : memref<1x50xi32, #tpu.memory_space<vmem>> -> memref<50xi32, #tpu.memory_space<vmem>>
    %dma_start3A_59 = arith.constant 0 : i32
    %dma_start3A_60 = arith.constant 0 : i32
    %dma_start3A_61 = tpu.memref_slice %arg3[%dma_start3A_59, %dma_start3A_60] : memref<100001x128xf32, #tpu.memory_space<hbm>> -> memref<100001x128xf32, #tpu.memory_space<hbm>>
    tpu.enqueue_indirect_dma source(%dma_start3A_61 : memref<100001x128xf32, #tpu.memory_space<hbm>>) target(%dma_start3A_55 : memref<50x128xf32, #tpu.memory_space<vmem>>) offsets(%dma_start3A_58 : memref<50xi32, #tpu.memory_space<vmem>>) semaphore(%arg11 : memref<!tpu.dma_semaphore, #tpu.memory_space<semaphore_mem>>)
    %dma_start3A_62 = arith.constant 5 : i32
    %dma_start3A_63 = arith.constant 5 : i32
    %dma_start3A_64 = arith.constant 0 : i32
    %dma_start3A_65 = arith.constant 0 : i32
    %dma_start3A_66 = tpu.memref_slice %arg6[%dma_start3A_63, %dma_start3A_64, %dma_start3A_65] : memref<8x50x128xf32, #tpu.memory_space<vmem>> -> memref<1x50x128xf32, #tpu.memory_space<vmem>>
    %dma_start3A_67 = tpu.memref_squeeze %dma_start3A_66 : memref<1x50x128xf32, #tpu.memory_space<vmem>> -> memref<50x128xf32, #tpu.memory_space<vmem>>
    %dma_start3A_68 = arith.constant 0 : i32
    %dma_start3A_69 = tpu.memref_slice %arg5[%dma_start3A_62, %dma_start3A_68] : memref<128x50xi32, #tpu.memory_space<vmem>> -> memref<1x50xi32, #tpu.memory_space<vmem>>
    %dma_start3A_70 = tpu.memref_squeeze %dma_start3A_69 : memref<1x50xi32, #tpu.memory_space<vmem>> -> memref<50xi32, #tpu.memory_space<vmem>>
    %dma_start3A_71 = arith.constant 0 : i32
    %dma_start3A_72 = arith.constant 0 : i32
    %dma_start3A_73 = tpu.memref_slice %arg3[%dma_start3A_71, %dma_start3A_72] : memref<100001x128xf32, #tpu.memory_space<hbm>> -> memref<100001x128xf32, #tpu.memory_space<hbm>>
    tpu.enqueue_indirect_dma source(%dma_start3A_73 : memref<100001x128xf32, #tpu.memory_space<hbm>>) target(%dma_start3A_67 : memref<50x128xf32, #tpu.memory_space<vmem>>) offsets(%dma_start3A_70 : memref<50xi32, #tpu.memory_space<vmem>>) semaphore(%arg12 : memref<!tpu.dma_semaphore, #tpu.memory_space<semaphore_mem>>)
    %dma_start3A_74 = arith.constant 6 : i32
    %dma_start3A_75 = arith.constant 6 : i32
    %dma_start3A_76 = arith.constant 0 : i32
    %dma_start3A_77 = arith.constant 0 : i32
    %dma_start3A_78 = tpu.memref_slice %arg6[%dma_start3A_75, %dma_start3A_76, %dma_start3A_77] : memref<8x50x128xf32, #tpu.memory_space<vmem>> -> memref<1x50x128xf32, #tpu.memory_space<vmem>>
    %dma_start3A_79 = tpu.memref_squeeze %dma_start3A_78 : memref<1x50x128xf32, #tpu.memory_space<vmem>> -> memref<50x128xf32, #tpu.memory_space<vmem>>
    %dma_start3A_80 = arith.constant 0 : i32
    %dma_start3A_81 = tpu.memref_slice %arg5[%dma_start3A_74, %dma_start3A_80] : memref<128x50xi32, #tpu.memory_space<vmem>> -> memref<1x50xi32, #tpu.memory_space<vmem>>
    %dma_start3A_82 = tpu.memref_squeeze %dma_start3A_81 : memref<1x50xi32, #tpu.memory_space<vmem>> -> memref<50xi32, #tpu.memory_space<vmem>>
    %dma_start3A_83 = arith.constant 0 : i32
    %dma_start3A_84 = arith.constant 0 : i32
    %dma_start3A_85 = tpu.memref_slice %arg3[%dma_start3A_83, %dma_start3A_84] : memref<100001x128xf32, #tpu.memory_space<hbm>> -> memref<100001x128xf32, #tpu.memory_space<hbm>>
    tpu.enqueue_indirect_dma source(%dma_start3A_85 : memref<100001x128xf32, #tpu.memory_space<hbm>>) target(%dma_start3A_79 : memref<50x128xf32, #tpu.memory_space<vmem>>) offsets(%dma_start3A_82 : memref<50xi32, #tpu.memory_space<vmem>>) semaphore(%arg13 : memref<!tpu.dma_semaphore, #tpu.memory_space<semaphore_mem>>)
    %dma_start3A_86 = arith.constant 7 : i32
    %dma_start3A_87 = arith.constant 7 : i32
    %dma_start3A_88 = arith.constant 0 : i32
    %dma_start3A_89 = arith.constant 0 : i32
    %dma_start3A_90 = tpu.memref_slice %arg6[%dma_start3A_87, %dma_start3A_88, %dma_start3A_89] : memref<8x50x128xf32, #tpu.memory_space<vmem>> -> memref<1x50x128xf32, #tpu.memory_space<vmem>>
    %dma_start3A_91 = tpu.memref_squeeze %dma_start3A_90 : memref<1x50x128xf32, #tpu.memory_space<vmem>> -> memref<50x128xf32, #tpu.memory_space<vmem>>
    %dma_start3A_92 = arith.constant 0 : i32
    %dma_start3A_93 = tpu.memref_slice %arg5[%dma_start3A_86, %dma_start3A_92] : memref<128x50xi32, #tpu.memory_space<vmem>> -> memref<1x50xi32, #tpu.memory_space<vmem>>
    %dma_start3A_94 = tpu.memref_squeeze %dma_start3A_93 : memref<1x50xi32, #tpu.memory_space<vmem>> -> memref<50xi32, #tpu.memory_space<vmem>>
    %dma_start3A_95 = arith.constant 0 : i32
    %dma_start3A_96 = arith.constant 0 : i32
    %dma_start3A_97 = tpu.memref_slice %arg3[%dma_start3A_95, %dma_start3A_96] : memref<100001x128xf32, #tpu.memory_space<hbm>> -> memref<100001x128xf32, #tpu.memory_space<hbm>>
    tpu.enqueue_indirect_dma source(%dma_start3A_97 : memref<100001x128xf32, #tpu.memory_space<hbm>>) target(%dma_start3A_91 : memref<50x128xf32, #tpu.memory_space<vmem>>) offsets(%dma_start3A_94 : memref<50xi32, #tpu.memory_space<vmem>>) semaphore(%arg14 : memref<!tpu.dma_semaphore, #tpu.memory_space<semaphore_mem>>)
    %scan3A = arith.constant 0 : i32
    %scan3A_98 = arith.constant 15 : i32
    %scan3A_99 = arith.addi %scan3A, %scan3A_98 : i32
    %scan3A_100 = arith.constant 1 : i32
    scf.for %scan3A_220 = %scan3A to %scan3A_99 step %scan3A_100  : i32 {
      %mul3A_221 = arith.constant 8 : i32
      %mul3A_222 = arith.muli %scan3A_220, %mul3A_221 : i32
      %add3A_223 = arith.constant 8 : i32
      %add3A_224 = arith.addi %add3A_223, %mul3A_222 : i32
      %add3A_225 = arith.constant 0 : i32
      %add3A_226 = arith.addi %add3A_224, %add3A_225 : i32
      %dma_wait3A_227 = arith.constant 0 : i32
      %dma_wait3A_228 = arith.constant 0 : i32
      %dma_wait3A_229 = arith.constant 0 : i32
      %dma_wait3A_230 = arith.constant 0 : i32
      %dma_wait3A_231 = tpu.memref_slice %arg6[%dma_wait3A_228, %dma_wait3A_229, %dma_wait3A_230] : memref<8x50x128xf32, #tpu.memory_space<vmem>> -> memref<1x50x128xf32, #tpu.memory_space<vmem>>
      %dma_wait3A_232 = tpu.memref_squeeze %dma_wait3A_231 : memref<1x50x128xf32, #tpu.memory_space<vmem>> -> memref<50x128xf32, #tpu.memory_space<vmem>>
      %dma_wait3A_233 = arith.constant 0 : i32
      %dma_wait3A_234 = tpu.memref_slice %arg5[%dma_wait3A_227, %dma_wait3A_233] : memref<128x50xi32, #tpu.memory_space<vmem>> -> memref<1x50xi32, #tpu.memory_space<vmem>>
      %dma_wait3A_235 = tpu.memref_squeeze %dma_wait3A_234 : memref<1x50xi32, #tpu.memory_space<vmem>> -> memref<50xi32, #tpu.memory_space<vmem>>
      %dma_wait3A_236 = arith.constant 0 : i32
      %dma_wait3A_237 = arith.constant 0 : i32
      %dma_wait3A_238 = tpu.memref_slice %arg3[%dma_wait3A_236, %dma_wait3A_237] : memref<100001x128xf32, #tpu.memory_space<hbm>> -> memref<100001x128xf32, #tpu.memory_space<hbm>>
      tpu.wait_indirect_dma semaphore(%arg7 : memref<!tpu.dma_semaphore, #tpu.memory_space<semaphore_mem>>) src(%dma_wait3A_238 : memref<100001x128xf32, #tpu.memory_space<hbm>>) dst(%dma_wait3A_232 : memref<50x128xf32, #tpu.memory_space<vmem>>)
      %add3A_239 = arith.addi %mul3A_2, %add3A_226 : i32
      %sub3A = arith.constant 8 : i32
      %sub3A_240 = arith.subi %add3A_239, %sub3A : i32
      %dma_start3A_241 = arith.constant 0 : i32
      %dma_start3A_242 = arith.constant 0 : i32
      %dma_start3A_243 = arith.constant 0 : i32
      %dma_start3A_244 = tpu.memref_slice %arg6[%dma_start3A_241, %dma_start3A_242, %dma_start3A_243] : memref<8x50x128xf32, #tpu.memory_space<vmem>> -> memref<1x50x128xf32, #tpu.memory_space<vmem>>
      %dma_start3A_245 = tpu.memref_squeeze %dma_start3A_244 : memref<1x50x128xf32, #tpu.memory_space<vmem>> -> memref<50x128xf32, #tpu.memory_space<vmem>>
      %dma_start3A_246 = arith.constant 0 : i32
      %dma_start3A_247 = arith.constant 0 : i32
      %dma_start3A_248 = tpu.memref_slice %arg4[%sub3A_240, %dma_start3A_246, %dma_start3A_247] : memref<4096x50x128xf32, #tpu.memory_space<hbm>> -> memref<1x50x128xf32, #tpu.memory_space<hbm>>
      %dma_start3A_249 = tpu.memref_squeeze %dma_start3A_248 : memref<1x50x128xf32, #tpu.memory_space<hbm>> -> memref<50x128xf32, #tpu.memory_space<hbm>>
      %dma_start3A_250 = arith.constant 0 : i32
      %dma_start3A_251 = arith.constant 0 : i32
      %dma_start3A_252 = tpu.memref_slice %arg4[%sub3A_240, %dma_start3A_250, %dma_start3A_251] : memref<4096x50x128xf32, #tpu.memory_space<hbm>> -> memref<1x50x128xf32, #tpu.memory_space<hbm>>
      %dma_start3A_253 = tpu.memref_squeeze %dma_start3A_252 : memref<1x50x128xf32, #tpu.memory_space<hbm>> -> memref<50x128xf32, #tpu.memory_space<hbm>>
      %dma_start3A_254 = arith.constant 0 : i32
      %dma_start3A_255 = arith.constant 0 : i32
      %dma_start3A_256 = tpu.memref_slice %arg6[%dma_start3A_241, %dma_start3A_254, %dma_start3A_255] : memref<8x50x128xf32, #tpu.memory_space<vmem>> -> memref<1x50x128xf32, #tpu.memory_space<vmem>>
      %dma_start3A_257 = tpu.memref_squeeze %dma_start3A_256 : memref<1x50x128xf32, #tpu.memory_space<vmem>> -> memref<50x128xf32, #tpu.memory_space<vmem>>
      tpu.enqueue_dma source(%dma_start3A_257 : memref<50x128xf32, #tpu.memory_space<vmem>>) target(%dma_start3A_253 : memref<50x128xf32, #tpu.memory_space<hbm>>) target_semaphore(%arg15 : memref<!tpu.dma_semaphore, #tpu.memory_space<semaphore_mem>>)
      %dma_wait3A_258 = arith.constant 0 : i32
      %dma_wait3A_259 = arith.constant 0 : i32
      %dma_wait3A_260 = arith.constant 0 : i32
      %dma_wait3A_261 = tpu.memref_slice %arg6[%dma_wait3A_258, %dma_wait3A_259, %dma_wait3A_260] : memref<8x50x128xf32, #tpu.memory_space<vmem>> -> memref<1x50x128xf32, #tpu.memory_space<vmem>>
      %dma_wait3A_262 = tpu.memref_squeeze %dma_wait3A_261 : memref<1x50x128xf32, #tpu.memory_space<vmem>> -> memref<50x128xf32, #tpu.memory_space<vmem>>
      %dma_wait3A_263 = arith.constant 0 : i32
      %dma_wait3A_264 = arith.constant 0 : i32
      %dma_wait3A_265 = tpu.memref_slice %arg4[%sub3A_240, %dma_wait3A_263, %dma_wait3A_264] : memref<4096x50x128xf32, #tpu.memory_space<hbm>> -> memref<1x50x128xf32, #tpu.memory_space<hbm>>
      %dma_wait3A_266 = tpu.memref_squeeze %dma_wait3A_265 : memref<1x50x128xf32, #tpu.memory_space<hbm>> -> memref<50x128xf32, #tpu.memory_space<hbm>>
      %dma_wait3A_267 = arith.constant 0 : i32
      %dma_wait3A_268 = arith.constant 0 : i32
      %dma_wait3A_269 = tpu.memref_slice %arg4[%sub3A_240, %dma_wait3A_267, %dma_wait3A_268] : memref<4096x50x128xf32, #tpu.memory_space<hbm>> -> memref<1x50x128xf32, #tpu.memory_space<hbm>>
      %dma_wait3A_270 = tpu.memref_squeeze %dma_wait3A_269 : memref<1x50x128xf32, #tpu.memory_space<hbm>> -> memref<50x128xf32, #tpu.memory_space<hbm>>
      %dma_wait3A_271 = arith.constant 0 : i32
      %dma_wait3A_272 = arith.constant 0 : i32
      %dma_wait3A_273 = tpu.memref_slice %arg6[%dma_wait3A_258, %dma_wait3A_271, %dma_wait3A_272] : memref<8x50x128xf32, #tpu.memory_space<vmem>> -> memref<1x50x128xf32, #tpu.memory_space<vmem>>
      %dma_wait3A_274 = tpu.memref_squeeze %dma_wait3A_273 : memref<1x50x128xf32, #tpu.memory_space<vmem>> -> memref<50x128xf32, #tpu.memory_space<vmem>>
      tpu.wait_dma2 semaphore(%arg15 : memref<!tpu.dma_semaphore, #tpu.memory_space<semaphore_mem>>) src(%dma_wait3A_274 : memref<50x128xf32, #tpu.memory_space<vmem>>) dst(%dma_wait3A_270 : memref<50x128xf32, #tpu.memory_space<hbm>>)
      %dma_start3A_275 = arith.constant 0 : i32
      %dma_start3A_276 = arith.constant 0 : i32
      %dma_start3A_277 = arith.constant 0 : i32
      %dma_start3A_278 = tpu.memref_slice %arg6[%dma_start3A_275, %dma_start3A_276, %dma_start3A_277] : memref<8x50x128xf32, #tpu.memory_space<vmem>> -> memref<1x50x128xf32, #tpu.memory_space<vmem>>
      %dma_start3A_279 = tpu.memref_squeeze %dma_start3A_278 : memref<1x50x128xf32, #tpu.memory_space<vmem>> -> memref<50x128xf32, #tpu.memory_space<vmem>>
      %dma_start3A_280 = arith.constant 0 : i32
      %dma_start3A_281 = tpu.memref_slice %arg5[%add3A_226, %dma_start3A_280] : memref<128x50xi32, #tpu.memory_space<vmem>> -> memref<1x50xi32, #tpu.memory_space<vmem>>
      %dma_start3A_282 = tpu.memref_squeeze %dma_start3A_281 : memref<1x50xi32, #tpu.memory_space<vmem>> -> memref<50xi32, #tpu.memory_space<vmem>>
      %dma_start3A_283 = arith.constant 0 : i32
      %dma_start3A_284 = arith.constant 0 : i32
      %dma_start3A_285 = tpu.memref_slice %arg3[%dma_start3A_283, %dma_start3A_284] : memref<100001x128xf32, #tpu.memory_space<hbm>> -> memref<100001x128xf32, #tpu.memory_space<hbm>>
      tpu.enqueue_indirect_dma source(%dma_start3A_285 : memref<100001x128xf32, #tpu.memory_space<hbm>>) target(%dma_start3A_279 : memref<50x128xf32, #tpu.memory_space<vmem>>) offsets(%dma_start3A_282 : memref<50xi32, #tpu.memory_space<vmem>>) semaphore(%arg7 : memref<!tpu.dma_semaphore, #tpu.memory_space<semaphore_mem>>)
      %add3A_286 = arith.constant 1 : i32
      %add3A_287 = arith.addi %add3A_224, %add3A_286 : i32
      %dma_wait3A_288 = arith.constant 1 : i32
      %dma_wait3A_289 = arith.constant 1 : i32
      %dma_wait3A_290 = arith.constant 0 : i32
      %dma_wait3A_291 = arith.constant 0 : i32
      %dma_wait3A_292 = tpu.memref_slice %arg6[%dma_wait3A_289, %dma_wait3A_290, %dma_wait3A_291] : memref<8x50x128xf32, #tpu.memory_space<vmem>> -> memref<1x50x128xf32, #tpu.memory_space<vmem>>
      %dma_wait3A_293 = tpu.memref_squeeze %dma_wait3A_292 : memref<1x50x128xf32, #tpu.memory_space<vmem>> -> memref<50x128xf32, #tpu.memory_space<vmem>>
      %dma_wait3A_294 = arith.constant 0 : i32
      %dma_wait3A_295 = tpu.memref_slice %arg5[%dma_wait3A_288, %dma_wait3A_294] : memref<128x50xi32, #tpu.memory_space<vmem>> -> memref<1x50xi32, #tpu.memory_space<vmem>>
      %dma_wait3A_296 = tpu.memref_squeeze %dma_wait3A_295 : memref<1x50xi32, #tpu.memory_space<vmem>> -> memref<50xi32, #tpu.memory_space<vmem>>
      %dma_wait3A_297 = arith.constant 0 : i32
      %dma_wait3A_298 = arith.constant 0 : i32
      %dma_wait3A_299 = tpu.memref_slice %arg3[%dma_wait3A_297, %dma_wait3A_298] : memref<100001x128xf32, #tpu.memory_space<hbm>> -> memref<100001x128xf32, #tpu.memory_space<hbm>>
      tpu.wait_indirect_dma semaphore(%arg8 : memref<!tpu.dma_semaphore, #tpu.memory_space<semaphore_mem>>) src(%dma_wait3A_299 : memref<100001x128xf32, #tpu.memory_space<hbm>>) dst(%dma_wait3A_293 : memref<50x128xf32, #tpu.memory_space<vmem>>)
      %add3A_300 = arith.addi %mul3A_2, %add3A_287 : i32
      %sub3A_301 = arith.constant 8 : i32
      %sub3A_302 = arith.subi %add3A_300, %sub3A_301 : i32
      %dma_start3A_303 = arith.constant 1 : i32
      %dma_start3A_304 = arith.constant 0 : i32
      %dma_start3A_305 = arith.constant 0 : i32
      %dma_start3A_306 = tpu.memref_slice %arg6[%dma_start3A_303, %dma_start3A_304, %dma_start3A_305] : memref<8x50x128xf32, #tpu.memory_space<vmem>> -> memref<1x50x128xf32, #tpu.memory_space<vmem>>
      %dma_start3A_307 = tpu.memref_squeeze %dma_start3A_306 : memref<1x50x128xf32, #tpu.memory_space<vmem>> -> memref<50x128xf32, #tpu.memory_space<vmem>>
      %dma_start3A_308 = arith.constant 0 : i32
      %dma_start3A_309 = arith.constant 0 : i32
      %dma_start3A_310 = tpu.memref_slice %arg4[%sub3A_302, %dma_start3A_308, %dma_start3A_309] : memref<4096x50x128xf32, #tpu.memory_space<hbm>> -> memref<1x50x128xf32, #tpu.memory_space<hbm>>
      %dma_start3A_311 = tpu.memref_squeeze %dma_start3A_310 : memref<1x50x128xf32, #tpu.memory_space<hbm>> -> memref<50x128xf32, #tpu.memory_space<hbm>>
      %dma_start3A_312 = arith.constant 0 : i32
      %dma_start3A_313 = arith.constant 0 : i32
      %dma_start3A_314 = tpu.memref_slice %arg4[%sub3A_302, %dma_start3A_312, %dma_start3A_313] : memref<4096x50x128xf32, #tpu.memory_space<hbm>> -> memref<1x50x128xf32, #tpu.memory_space<hbm>>
      %dma_start3A_315 = tpu.memref_squeeze %dma_start3A_314 : memref<1x50x128xf32, #tpu.memory_space<hbm>> -> memref<50x128xf32, #tpu.memory_space<hbm>>
      %dma_start3A_316 = arith.constant 0 : i32
      %dma_start3A_317 = arith.constant 0 : i32
      %dma_start3A_318 = tpu.memref_slice %arg6[%dma_start3A_303, %dma_start3A_316, %dma_start3A_317] : memref<8x50x128xf32, #tpu.memory_space<vmem>> -> memref<1x50x128xf32, #tpu.memory_space<vmem>>
      %dma_start3A_319 = tpu.memref_squeeze %dma_start3A_318 : memref<1x50x128xf32, #tpu.memory_space<vmem>> -> memref<50x128xf32, #tpu.memory_space<vmem>>
      tpu.enqueue_dma source(%dma_start3A_319 : memref<50x128xf32, #tpu.memory_space<vmem>>) target(%dma_start3A_315 : memref<50x128xf32, #tpu.memory_space<hbm>>) target_semaphore(%arg16 : memref<!tpu.dma_semaphore, #tpu.memory_space<semaphore_mem>>)
      %dma_wait3A_320 = arith.constant 1 : i32
      %dma_wait3A_321 = arith.constant 0 : i32
      %dma_wait3A_322 = arith.constant 0 : i32
      %dma_wait3A_323 = tpu.memref_slice %arg6[%dma_wait3A_320, %dma_wait3A_321, %dma_wait3A_322] : memref<8x50x128xf32, #tpu.memory_space<vmem>> -> memref<1x50x128xf32, #tpu.memory_space<vmem>>
      %dma_wait3A_324 = tpu.memref_squeeze %dma_wait3A_323 : memref<1x50x128xf32, #tpu.memory_space<vmem>> -> memref<50x128xf32, #tpu.memory_space<vmem>>
      %dma_wait3A_325 = arith.constant 0 : i32
      %dma_wait3A_326 = arith.constant 0 : i32
      %dma_wait3A_327 = tpu.memref_slice %arg4[%sub3A_302, %dma_wait3A_325, %dma_wait3A_326] : memref<4096x50x128xf32, #tpu.memory_space<hbm>> -> memref<1x50x128xf32, #tpu.memory_space<hbm>>
      %dma_wait3A_328 = tpu.memref_squeeze %dma_wait3A_327 : memref<1x50x128xf32, #tpu.memory_space<hbm>> -> memref<50x128xf32, #tpu.memory_space<hbm>>
      %dma_wait3A_329 = arith.constant 0 : i32
      %dma_wait3A_330 = arith.constant 0 : i32
      %dma_wait3A_331 = tpu.memref_slice %arg4[%sub3A_302, %dma_wait3A_329, %dma_wait3A_330] : memref<4096x50x128xf32, #tpu.memory_space<hbm>> -> memref<1x50x128xf32, #tpu.memory_space<hbm>>
      %dma_wait3A_332 = tpu.memref_squeeze %dma_wait3A_331 : memref<1x50x128xf32, #tpu.memory_space<hbm>> -> memref<50x128xf32, #tpu.memory_space<hbm>>
      %dma_wait3A_333 = arith.constant 0 : i32
      %dma_wait3A_334 = arith.constant 0 : i32
      %dma_wait3A_335 = tpu.memref_slice %arg6[%dma_wait3A_320, %dma_wait3A_333, %dma_wait3A_334] : memref<8x50x128xf32, #tpu.memory_space<vmem>> -> memref<1x50x128xf32, #tpu.memory_space<vmem>>
      %dma_wait3A_336 = tpu.memref_squeeze %dma_wait3A_335 : memref<1x50x128xf32, #tpu.memory_space<vmem>> -> memref<50x128xf32, #tpu.memory_space<vmem>>
      tpu.wait_dma2 semaphore(%arg16 : memref<!tpu.dma_semaphore, #tpu.memory_space<semaphore_mem>>) src(%dma_wait3A_336 : memref<50x128xf32, #tpu.memory_space<vmem>>) dst(%dma_wait3A_332 : memref<50x128xf32, #tpu.memory_space<hbm>>)
      %dma_start3A_337 = arith.constant 1 : i32
      %dma_start3A_338 = arith.constant 0 : i32
      %dma_start3A_339 = arith.constant 0 : i32
      %dma_start3A_340 = tpu.memref_slice %arg6[%dma_start3A_337, %dma_start3A_338, %dma_start3A_339] : memref<8x50x128xf32, #tpu.memory_space<vmem>> -> memref<1x50x128xf32, #tpu.memory_space<vmem>>
      %dma_start3A_341 = tpu.memref_squeeze %dma_start3A_340 : memref<1x50x128xf32, #tpu.memory_space<vmem>> -> memref<50x128xf32, #tpu.memory_space<vmem>>
      %dma_start3A_342 = arith.constant 0 : i32
      %dma_start3A_343 = tpu.memref_slice %arg5[%add3A_287, %dma_start3A_342] : memref<128x50xi32, #tpu.memory_space<vmem>> -> memref<1x50xi32, #tpu.memory_space<vmem>>
      %dma_start3A_344 = tpu.memref_squeeze %dma_start3A_343 : memref<1x50xi32, #tpu.memory_space<vmem>> -> memref<50xi32, #tpu.memory_space<vmem>>
      %dma_start3A_345 = arith.constant 0 : i32
      %dma_start3A_346 = arith.constant 0 : i32
      %dma_start3A_347 = tpu.memref_slice %arg3[%dma_start3A_345, %dma_start3A_346] : memref<100001x128xf32, #tpu.memory_space<hbm>> -> memref<100001x128xf32, #tpu.memory_space<hbm>>
      tpu.enqueue_indirect_dma source(%dma_start3A_347 : memref<100001x128xf32, #tpu.memory_space<hbm>>) target(%dma_start3A_341 : memref<50x128xf32, #tpu.memory_space<vmem>>) offsets(%dma_start3A_344 : memref<50xi32, #tpu.memory_space<vmem>>) semaphore(%arg8 : memref<!tpu.dma_semaphore, #tpu.memory_space<semaphore_mem>>)
      %add3A_348 = arith.constant 2 : i32
      %add3A_349 = arith.addi %add3A_224, %add3A_348 : i32
      %dma_wait3A_350 = arith.constant 2 : i32
      %dma_wait3A_351 = arith.constant 2 : i32
      %dma_wait3A_352 = arith.constant 0 : i32
      %dma_wait3A_353 = arith.constant 0 : i32
      %dma_wait3A_354 = tpu.memref_slice %arg6[%dma_wait3A_351, %dma_wait3A_352, %dma_wait3A_353] : memref<8x50x128xf32, #tpu.memory_space<vmem>> -> memref<1x50x128xf32, #tpu.memory_space<vmem>>
      %dma_wait3A_355 = tpu.memref_squeeze %dma_wait3A_354 : memref<1x50x128xf32, #tpu.memory_space<vmem>> -> memref<50x128xf32, #tpu.memory_space<vmem>>
      %dma_wait3A_356 = arith.constant 0 : i32
      %dma_wait3A_357 = tpu.memref_slice %arg5[%dma_wait3A_350, %dma_wait3A_356] : memref<128x50xi32, #tpu.memory_space<vmem>> -> memref<1x50xi32, #tpu.memory_space<vmem>>
      %dma_wait3A_358 = tpu.memref_squeeze %dma_wait3A_357 : memref<1x50xi32, #tpu.memory_space<vmem>> -> memref<50xi32, #tpu.memory_space<vmem>>
      %dma_wait3A_359 = arith.constant 0 : i32
      %dma_wait3A_360 = arith.constant 0 : i32
      %dma_wait3A_361 = tpu.memref_slice %arg3[%dma_wait3A_359, %dma_wait3A_360] : memref<100001x128xf32, #tpu.memory_space<hbm>> -> memref<100001x128xf32, #tpu.memory_space<hbm>>
      tpu.wait_indirect_dma semaphore(%arg9 : memref<!tpu.dma_semaphore, #tpu.memory_space<semaphore_mem>>) src(%dma_wait3A_361 : memref<100001x128xf32, #tpu.memory_space<hbm>>) dst(%dma_wait3A_355 : memref<50x128xf32, #tpu.memory_space<vmem>>)
      %add3A_362 = arith.addi %mul3A_2, %add3A_349 : i32
      %sub3A_363 = arith.constant 8 : i32
      %sub3A_364 = arith.subi %add3A_362, %sub3A_363 : i32
      %dma_start3A_365 = arith.constant 2 : i32
      %dma_start3A_366 = arith.constant 0 : i32
      %dma_start3A_367 = arith.constant 0 : i32
      %dma_start3A_368 = tpu.memref_slice %arg6[%dma_start3A_365, %dma_start3A_366, %dma_start3A_367] : memref<8x50x128xf32, #tpu.memory_space<vmem>> -> memref<1x50x128xf32, #tpu.memory_space<vmem>>
      %dma_start3A_369 = tpu.memref_squeeze %dma_start3A_368 : memref<1x50x128xf32, #tpu.memory_space<vmem>> -> memref<50x128xf32, #tpu.memory_space<vmem>>
      %dma_start3A_370 = arith.constant 0 : i32
      %dma_start3A_371 = arith.constant 0 : i32
      %dma_start3A_372 = tpu.memref_slice %arg4[%sub3A_364, %dma_start3A_370, %dma_start3A_371] : memref<4096x50x128xf32, #tpu.memory_space<hbm>> -> memref<1x50x128xf32, #tpu.memory_space<hbm>>
      %dma_start3A_373 = tpu.memref_squeeze %dma_start3A_372 : memref<1x50x128xf32, #tpu.memory_space<hbm>> -> memref<50x128xf32, #tpu.memory_space<hbm>>
      %dma_start3A_374 = arith.constant 0 : i32
      %dma_start3A_375 = arith.constant 0 : i32
      %dma_start3A_376 = tpu.memref_slice %arg4[%sub3A_364, %dma_start3A_374, %dma_start3A_375] : memref<4096x50x128xf32, #tpu.memory_space<hbm>> -> memref<1x50x128xf32, #tpu.memory_space<hbm>>
      %dma_start3A_377 = tpu.memref_squeeze %dma_start3A_376 : memref<1x50x128xf32, #tpu.memory_space<hbm>> -> memref<50x128xf32, #tpu.memory_space<hbm>>
      %dma_start3A_378 = arith.constant 0 : i32
      %dma_start3A_379 = arith.constant 0 : i32
      %dma_start3A_380 = tpu.memref_slice %arg6[%dma_start3A_365, %dma_start3A_378, %dma_start3A_379] : memref<8x50x128xf32, #tpu.memory_space<vmem>> -> memref<1x50x128xf32, #tpu.memory_space<vmem>>
      %dma_start3A_381 = tpu.memref_squeeze %dma_start3A_380 : memref<1x50x128xf32, #tpu.memory_space<vmem>> -> memref<50x128xf32, #tpu.memory_space<vmem>>
      tpu.enqueue_dma source(%dma_start3A_381 : memref<50x128xf32, #tpu.memory_space<vmem>>) target(%dma_start3A_377 : memref<50x128xf32, #tpu.memory_space<hbm>>) target_semaphore(%arg17 : memref<!tpu.dma_semaphore, #tpu.memory_space<semaphore_mem>>)
      %dma_wait3A_382 = arith.constant 2 : i32
      %dma_wait3A_383 = arith.constant 0 : i32
      %dma_wait3A_384 = arith.constant 0 : i32
      %dma_wait3A_385 = tpu.memref_slice %arg6[%dma_wait3A_382, %dma_wait3A_383, %dma_wait3A_384] : memref<8x50x128xf32, #tpu.memory_space<vmem>> -> memref<1x50x128xf32, #tpu.memory_space<vmem>>
      %dma_wait3A_386 = tpu.memref_squeeze %dma_wait3A_385 : memref<1x50x128xf32, #tpu.memory_space<vmem>> -> memref<50x128xf32, #tpu.memory_space<vmem>>
      %dma_wait3A_387 = arith.constant 0 : i32
      %dma_wait3A_388 = arith.constant 0 : i32
      %dma_wait3A_389 = tpu.memref_slice %arg4[%sub3A_364, %dma_wait3A_387, %dma_wait3A_388] : memref<4096x50x128xf32, #tpu.memory_space<hbm>> -> memref<1x50x128xf32, #tpu.memory_space<hbm>>
      %dma_wait3A_390 = tpu.memref_squeeze %dma_wait3A_389 : memref<1x50x128xf32, #tpu.memory_space<hbm>> -> memref<50x128xf32, #tpu.memory_space<hbm>>
      %dma_wait3A_391 = arith.constant 0 : i32
      %dma_wait3A_392 = arith.constant 0 : i32
      %dma_wait3A_393 = tpu.memref_slice %arg4[%sub3A_364, %dma_wait3A_391, %dma_wait3A_392] : memref<4096x50x128xf32, #tpu.memory_space<hbm>> -> memref<1x50x128xf32, #tpu.memory_space<hbm>>
      %dma_wait3A_394 = tpu.memref_squeeze %dma_wait3A_393 : memref<1x50x128xf32, #tpu.memory_space<hbm>> -> memref<50x128xf32, #tpu.memory_space<hbm>>
      %dma_wait3A_395 = arith.constant 0 : i32
      %dma_wait3A_396 = arith.constant 0 : i32
      %dma_wait3A_397 = tpu.memref_slice %arg6[%dma_wait3A_382, %dma_wait3A_395, %dma_wait3A_396] : memref<8x50x128xf32, #tpu.memory_space<vmem>> -> memref<1x50x128xf32, #tpu.memory_space<vmem>>
      %dma_wait3A_398 = tpu.memref_squeeze %dma_wait3A_397 : memref<1x50x128xf32, #tpu.memory_space<vmem>> -> memref<50x128xf32, #tpu.memory_space<vmem>>
      tpu.wait_dma2 semaphore(%arg17 : memref<!tpu.dma_semaphore, #tpu.memory_space<semaphore_mem>>) src(%dma_wait3A_398 : memref<50x128xf32, #tpu.memory_space<vmem>>) dst(%dma_wait3A_394 : memref<50x128xf32, #tpu.memory_space<hbm>>)
      %dma_start3A_399 = arith.constant 2 : i32
      %dma_start3A_400 = arith.constant 0 : i32
      %dma_start3A_401 = arith.constant 0 : i32
      %dma_start3A_402 = tpu.memref_slice %arg6[%dma_start3A_399, %dma_start3A_400, %dma_start3A_401] : memref<8x50x128xf32, #tpu.memory_space<vmem>> -> memref<1x50x128xf32, #tpu.memory_space<vmem>>
      %dma_start3A_403 = tpu.memref_squeeze %dma_start3A_402 : memref<1x50x128xf32, #tpu.memory_space<vmem>> -> memref<50x128xf32, #tpu.memory_space<vmem>>
      %dma_start3A_404 = arith.constant 0 : i32
      %dma_start3A_405 = tpu.memref_slice %arg5[%add3A_349, %dma_start3A_404] : memref<128x50xi32, #tpu.memory_space<vmem>> -> memref<1x50xi32, #tpu.memory_space<vmem>>
      %dma_start3A_406 = tpu.memref_squeeze %dma_start3A_405 : memref<1x50xi32, #tpu.memory_space<vmem>> -> memref<50xi32, #tpu.memory_space<vmem>>
      %dma_start3A_407 = arith.constant 0 : i32
      %dma_start3A_408 = arith.constant 0 : i32
      %dma_start3A_409 = tpu.memref_slice %arg3[%dma_start3A_407, %dma_start3A_408] : memref<100001x128xf32, #tpu.memory_space<hbm>> -> memref<100001x128xf32, #tpu.memory_space<hbm>>
      tpu.enqueue_indirect_dma source(%dma_start3A_409 : memref<100001x128xf32, #tpu.memory_space<hbm>>) target(%dma_start3A_403 : memref<50x128xf32, #tpu.memory_space<vmem>>) offsets(%dma_start3A_406 : memref<50xi32, #tpu.memory_space<vmem>>) semaphore(%arg9 : memref<!tpu.dma_semaphore, #tpu.memory_space<semaphore_mem>>)
      %add3A_410 = arith.constant 3 : i32
      %add3A_411 = arith.addi %add3A_224, %add3A_410 : i32
      %dma_wait3A_412 = arith.constant 3 : i32
      %dma_wait3A_413 = arith.constant 3 : i32
      %dma_wait3A_414 = arith.constant 0 : i32
      %dma_wait3A_415 = arith.constant 0 : i32
      %dma_wait3A_416 = tpu.memref_slice %arg6[%dma_wait3A_413, %dma_wait3A_414, %dma_wait3A_415] : memref<8x50x128xf32, #tpu.memory_space<vmem>> -> memref<1x50x128xf32, #tpu.memory_space<vmem>>
      %dma_wait3A_417 = tpu.memref_squeeze %dma_wait3A_416 : memref<1x50x128xf32, #tpu.memory_space<vmem>> -> memref<50x128xf32, #tpu.memory_space<vmem>>
      %dma_wait3A_418 = arith.constant 0 : i32
      %dma_wait3A_419 = tpu.memref_slice %arg5[%dma_wait3A_412, %dma_wait3A_418] : memref<128x50xi32, #tpu.memory_space<vmem>> -> memref<1x50xi32, #tpu.memory_space<vmem>>
      %dma_wait3A_420 = tpu.memref_squeeze %dma_wait3A_419 : memref<1x50xi32, #tpu.memory_space<vmem>> -> memref<50xi32, #tpu.memory_space<vmem>>
      %dma_wait3A_421 = arith.constant 0 : i32
      %dma_wait3A_422 = arith.constant 0 : i32
      %dma_wait3A_423 = tpu.memref_slice %arg3[%dma_wait3A_421, %dma_wait3A_422] : memref<100001x128xf32, #tpu.memory_space<hbm>> -> memref<100001x128xf32, #tpu.memory_space<hbm>>
      tpu.wait_indirect_dma semaphore(%arg10 : memref<!tpu.dma_semaphore, #tpu.memory_space<semaphore_mem>>) src(%dma_wait3A_423 : memref<100001x128xf32, #tpu.memory_space<hbm>>) dst(%dma_wait3A_417 : memref<50x128xf32, #tpu.memory_space<vmem>>)
      %add3A_424 = arith.addi %mul3A_2, %add3A_411 : i32
      %sub3A_425 = arith.constant 8 : i32
      %sub3A_426 = arith.subi %add3A_424, %sub3A_425 : i32
      %dma_start3A_427 = arith.constant 3 : i32
      %dma_start3A_428 = arith.constant 0 : i32
      %dma_start3A_429 = arith.constant 0 : i32
      %dma_start3A_430 = tpu.memref_slice %arg6[%dma_start3A_427, %dma_start3A_428, %dma_start3A_429] : memref<8x50x128xf32, #tpu.memory_space<vmem>> -> memref<1x50x128xf32, #tpu.memory_space<vmem>>
      %dma_start3A_431 = tpu.memref_squeeze %dma_start3A_430 : memref<1x50x128xf32, #tpu.memory_space<vmem>> -> memref<50x128xf32, #tpu.memory_space<vmem>>
      %dma_start3A_432 = arith.constant 0 : i32
      %dma_start3A_433 = arith.constant 0 : i32
      %dma_start3A_434 = tpu.memref_slice %arg4[%sub3A_426, %dma_start3A_432, %dma_start3A_433] : memref<4096x50x128xf32, #tpu.memory_space<hbm>> -> memref<1x50x128xf32, #tpu.memory_space<hbm>>
      %dma_start3A_435 = tpu.memref_squeeze %dma_start3A_434 : memref<1x50x128xf32, #tpu.memory_space<hbm>> -> memref<50x128xf32, #tpu.memory_space<hbm>>
      %dma_start3A_436 = arith.constant 0 : i32
      %dma_start3A_437 = arith.constant 0 : i32
      %dma_start3A_438 = tpu.memref_slice %arg4[%sub3A_426, %dma_start3A_436, %dma_start3A_437] : memref<4096x50x128xf32, #tpu.memory_space<hbm>> -> memref<1x50x128xf32, #tpu.memory_space<hbm>>
      %dma_start3A_439 = tpu.memref_squeeze %dma_start3A_438 : memref<1x50x128xf32, #tpu.memory_space<hbm>> -> memref<50x128xf32, #tpu.memory_space<hbm>>
      %dma_start3A_440 = arith.constant 0 : i32
      %dma_start3A_441 = arith.constant 0 : i32
      %dma_start3A_442 = tpu.memref_slice %arg6[%dma_start3A_427, %dma_start3A_440, %dma_start3A_441] : memref<8x50x128xf32, #tpu.memory_space<vmem>> -> memref<1x50x128xf32, #tpu.memory_space<vmem>>
      %dma_start3A_443 = tpu.memref_squeeze %dma_start3A_442 : memref<1x50x128xf32, #tpu.memory_space<vmem>> -> memref<50x128xf32, #tpu.memory_space<vmem>>
      tpu.enqueue_dma source(%dma_start3A_443 : memref<50x128xf32, #tpu.memory_space<vmem>>) target(%dma_start3A_439 : memref<50x128xf32, #tpu.memory_space<hbm>>) target_semaphore(%arg18 : memref<!tpu.dma_semaphore, #tpu.memory_space<semaphore_mem>>)
      %dma_wait3A_444 = arith.constant 3 : i32
      %dma_wait3A_445 = arith.constant 0 : i32
      %dma_wait3A_446 = arith.constant 0 : i32
      %dma_wait3A_447 = tpu.memref_slice %arg6[%dma_wait3A_444, %dma_wait3A_445, %dma_wait3A_446] : memref<8x50x128xf32, #tpu.memory_space<vmem>> -> memref<1x50x128xf32, #tpu.memory_space<vmem>>
      %dma_wait3A_448 = tpu.memref_squeeze %dma_wait3A_447 : memref<1x50x128xf32, #tpu.memory_space<vmem>> -> memref<50x128xf32, #tpu.memory_space<vmem>>
      %dma_wait3A_449 = arith.constant 0 : i32
      %dma_wait3A_450 = arith.constant 0 : i32
      %dma_wait3A_451 = tpu.memref_slice %arg4[%sub3A_426, %dma_wait3A_449, %dma_wait3A_450] : memref<4096x50x128xf32, #tpu.memory_space<hbm>> -> memref<1x50x128xf32, #tpu.memory_space<hbm>>
      %dma_wait3A_452 = tpu.memref_squeeze %dma_wait3A_451 : memref<1x50x128xf32, #tpu.memory_space<hbm>> -> memref<50x128xf32, #tpu.memory_space<hbm>>
      %dma_wait3A_453 = arith.constant 0 : i32
      %dma_wait3A_454 = arith.constant 0 : i32
      %dma_wait3A_455 = tpu.memref_slice %arg4[%sub3A_426, %dma_wait3A_453, %dma_wait3A_454] : memref<4096x50x128xf32, #tpu.memory_space<hbm>> -> memref<1x50x128xf32, #tpu.memory_space<hbm>>
      %dma_wait3A_456 = tpu.memref_squeeze %dma_wait3A_455 : memref<1x50x128xf32, #tpu.memory_space<hbm>> -> memref<50x128xf32, #tpu.memory_space<hbm>>
      %dma_wait3A_457 = arith.constant 0 : i32
      %dma_wait3A_458 = arith.constant 0 : i32
      %dma_wait3A_459 = tpu.memref_slice %arg6[%dma_wait3A_444, %dma_wait3A_457, %dma_wait3A_458] : memref<8x50x128xf32, #tpu.memory_space<vmem>> -> memref<1x50x128xf32, #tpu.memory_space<vmem>>
      %dma_wait3A_460 = tpu.memref_squeeze %dma_wait3A_459 : memref<1x50x128xf32, #tpu.memory_space<vmem>> -> memref<50x128xf32, #tpu.memory_space<vmem>>
      tpu.wait_dma2 semaphore(%arg18 : memref<!tpu.dma_semaphore, #tpu.memory_space<semaphore_mem>>) src(%dma_wait3A_460 : memref<50x128xf32, #tpu.memory_space<vmem>>) dst(%dma_wait3A_456 : memref<50x128xf32, #tpu.memory_space<hbm>>)
      %dma_start3A_461 = arith.constant 3 : i32
      %dma_start3A_462 = arith.constant 0 : i32
      %dma_start3A_463 = arith.constant 0 : i32
      %dma_start3A_464 = tpu.memref_slice %arg6[%dma_start3A_461, %dma_start3A_462, %dma_start3A_463] : memref<8x50x128xf32, #tpu.memory_space<vmem>> -> memref<1x50x128xf32, #tpu.memory_space<vmem>>
      %dma_start3A_465 = tpu.memref_squeeze %dma_start3A_464 : memref<1x50x128xf32, #tpu.memory_space<vmem>> -> memref<50x128xf32, #tpu.memory_space<vmem>>
      %dma_start3A_466 = arith.constant 0 : i32
      %dma_start3A_467 = tpu.memref_slice %arg5[%add3A_411, %dma_start3A_466] : memref<128x50xi32, #tpu.memory_space<vmem>> -> memref<1x50xi32, #tpu.memory_space<vmem>>
      %dma_start3A_468 = tpu.memref_squeeze %dma_start3A_467 : memref<1x50xi32, #tpu.memory_space<vmem>> -> memref<50xi32, #tpu.memory_space<vmem>>
      %dma_start3A_469 = arith.constant 0 : i32
      %dma_start3A_470 = arith.constant 0 : i32
      %dma_start3A_471 = tpu.memref_slice %arg3[%dma_start3A_469, %dma_start3A_470] : memref<100001x128xf32, #tpu.memory_space<hbm>> -> memref<100001x128xf32, #tpu.memory_space<hbm>>
      tpu.enqueue_indirect_dma source(%dma_start3A_471 : memref<100001x128xf32, #tpu.memory_space<hbm>>) target(%dma_start3A_465 : memref<50x128xf32, #tpu.memory_space<vmem>>) offsets(%dma_start3A_468 : memref<50xi32, #tpu.memory_space<vmem>>) semaphore(%arg10 : memref<!tpu.dma_semaphore, #tpu.memory_space<semaphore_mem>>)
      %add3A_472 = arith.constant 4 : i32
      %add3A_473 = arith.addi %add3A_224, %add3A_472 : i32
      %dma_wait3A_474 = arith.constant 4 : i32
      %dma_wait3A_475 = arith.constant 4 : i32
      %dma_wait3A_476 = arith.constant 0 : i32
      %dma_wait3A_477 = arith.constant 0 : i32
      %dma_wait3A_478 = tpu.memref_slice %arg6[%dma_wait3A_475, %dma_wait3A_476, %dma_wait3A_477] : memref<8x50x128xf32, #tpu.memory_space<vmem>> -> memref<1x50x128xf32, #tpu.memory_space<vmem>>
      %dma_wait3A_479 = tpu.memref_squeeze %dma_wait3A_478 : memref<1x50x128xf32, #tpu.memory_space<vmem>> -> memref<50x128xf32, #tpu.memory_space<vmem>>
      %dma_wait3A_480 = arith.constant 0 : i32
      %dma_wait3A_481 = tpu.memref_slice %arg5[%dma_wait3A_474, %dma_wait3A_480] : memref<128x50xi32, #tpu.memory_space<vmem>> -> memref<1x50xi32, #tpu.memory_space<vmem>>
      %dma_wait3A_482 = tpu.memref_squeeze %dma_wait3A_481 : memref<1x50xi32, #tpu.memory_space<vmem>> -> memref<50xi32, #tpu.memory_space<vmem>>
      %dma_wait3A_483 = arith.constant 0 : i32
      %dma_wait3A_484 = arith.constant 0 : i32
      %dma_wait3A_485 = tpu.memref_slice %arg3[%dma_wait3A_483, %dma_wait3A_484] : memref<100001x128xf32, #tpu.memory_space<hbm>> -> memref<100001x128xf32, #tpu.memory_space<hbm>>
      tpu.wait_indirect_dma semaphore(%arg11 : memref<!tpu.dma_semaphore, #tpu.memory_space<semaphore_mem>>) src(%dma_wait3A_485 : memref<100001x128xf32, #tpu.memory_space<hbm>>) dst(%dma_wait3A_479 : memref<50x128xf32, #tpu.memory_space<vmem>>)
      %add3A_486 = arith.addi %mul3A_2, %add3A_473 : i32
      %sub3A_487 = arith.constant 8 : i32
      %sub3A_488 = arith.subi %add3A_486, %sub3A_487 : i32
      %dma_start3A_489 = arith.constant 4 : i32
      %dma_start3A_490 = arith.constant 0 : i32
      %dma_start3A_491 = arith.constant 0 : i32
      %dma_start3A_492 = tpu.memref_slice %arg6[%dma_start3A_489, %dma_start3A_490, %dma_start3A_491] : memref<8x50x128xf32, #tpu.memory_space<vmem>> -> memref<1x50x128xf32, #tpu.memory_space<vmem>>
      %dma_start3A_493 = tpu.memref_squeeze %dma_start3A_492 : memref<1x50x128xf32, #tpu.memory_space<vmem>> -> memref<50x128xf32, #tpu.memory_space<vmem>>
      %dma_start3A_494 = arith.constant 0 : i32
      %dma_start3A_495 = arith.constant 0 : i32
      %dma_start3A_496 = tpu.memref_slice %arg4[%sub3A_488, %dma_start3A_494, %dma_start3A_495] : memref<4096x50x128xf32, #tpu.memory_space<hbm>> -> memref<1x50x128xf32, #tpu.memory_space<hbm>>
      %dma_start3A_497 = tpu.memref_squeeze %dma_start3A_496 : memref<1x50x128xf32, #tpu.memory_space<hbm>> -> memref<50x128xf32, #tpu.memory_space<hbm>>
      %dma_start3A_498 = arith.constant 0 : i32
      %dma_start3A_499 = arith.constant 0 : i32
      %dma_start3A_500 = tpu.memref_slice %arg4[%sub3A_488, %dma_start3A_498, %dma_start3A_499] : memref<4096x50x128xf32, #tpu.memory_space<hbm>> -> memref<1x50x128xf32, #tpu.memory_space<hbm>>
      %dma_start3A_501 = tpu.memref_squeeze %dma_start3A_500 : memref<1x50x128xf32, #tpu.memory_space<hbm>> -> memref<50x128xf32, #tpu.memory_space<hbm>>
      %dma_start3A_502 = arith.constant 0 : i32
      %dma_start3A_503 = arith.constant 0 : i32
      %dma_start3A_504 = tpu.memref_slice %arg6[%dma_start3A_489, %dma_start3A_502, %dma_start3A_503] : memref<8x50x128xf32, #tpu.memory_space<vmem>> -> memref<1x50x128xf32, #tpu.memory_space<vmem>>
      %dma_start3A_505 = tpu.memref_squeeze %dma_start3A_504 : memref<1x50x128xf32, #tpu.memory_space<vmem>> -> memref<50x128xf32, #tpu.memory_space<vmem>>
      tpu.enqueue_dma source(%dma_start3A_505 : memref<50x128xf32, #tpu.memory_space<vmem>>) target(%dma_start3A_501 : memref<50x128xf32, #tpu.memory_space<hbm>>) target_semaphore(%arg19 : memref<!tpu.dma_semaphore, #tpu.memory_space<semaphore_mem>>)
      %dma_wait3A_506 = arith.constant 4 : i32
      %dma_wait3A_507 = arith.constant 0 : i32
      %dma_wait3A_508 = arith.constant 0 : i32
      %dma_wait3A_509 = tpu.memref_slice %arg6[%dma_wait3A_506, %dma_wait3A_507, %dma_wait3A_508] : memref<8x50x128xf32, #tpu.memory_space<vmem>> -> memref<1x50x128xf32, #tpu.memory_space<vmem>>
      %dma_wait3A_510 = tpu.memref_squeeze %dma_wait3A_509 : memref<1x50x128xf32, #tpu.memory_space<vmem>> -> memref<50x128xf32, #tpu.memory_space<vmem>>
      %dma_wait3A_511 = arith.constant 0 : i32
      %dma_wait3A_512 = arith.constant 0 : i32
      %dma_wait3A_513 = tpu.memref_slice %arg4[%sub3A_488, %dma_wait3A_511, %dma_wait3A_512] : memref<4096x50x128xf32, #tpu.memory_space<hbm>> -> memref<1x50x128xf32, #tpu.memory_space<hbm>>
      %dma_wait3A_514 = tpu.memref_squeeze %dma_wait3A_513 : memref<1x50x128xf32, #tpu.memory_space<hbm>> -> memref<50x128xf32, #tpu.memory_space<hbm>>
      %dma_wait3A_515 = arith.constant 0 : i32
      %dma_wait3A_516 = arith.constant 0 : i32
      %dma_wait3A_517 = tpu.memref_slice %arg4[%sub3A_488, %dma_wait3A_515, %dma_wait3A_516] : memref<4096x50x128xf32, #tpu.memory_space<hbm>> -> memref<1x50x128xf32, #tpu.memory_space<hbm>>
      %dma_wait3A_518 = tpu.memref_squeeze %dma_wait3A_517 : memref<1x50x128xf32, #tpu.memory_space<hbm>> -> memref<50x128xf32, #tpu.memory_space<hbm>>
      %dma_wait3A_519 = arith.constant 0 : i32
      %dma_wait3A_520 = arith.constant 0 : i32
      %dma_wait3A_521 = tpu.memref_slice %arg6[%dma_wait3A_506, %dma_wait3A_519, %dma_wait3A_520] : memref<8x50x128xf32, #tpu.memory_space<vmem>> -> memref<1x50x128xf32, #tpu.memory_space<vmem>>
      %dma_wait3A_522 = tpu.memref_squeeze %dma_wait3A_521 : memref<1x50x128xf32, #tpu.memory_space<vmem>> -> memref<50x128xf32, #tpu.memory_space<vmem>>
      tpu.wait_dma2 semaphore(%arg19 : memref<!tpu.dma_semaphore, #tpu.memory_space<semaphore_mem>>) src(%dma_wait3A_522 : memref<50x128xf32, #tpu.memory_space<vmem>>) dst(%dma_wait3A_518 : memref<50x128xf32, #tpu.memory_space<hbm>>)
      %dma_start3A_523 = arith.constant 4 : i32
      %dma_start3A_524 = arith.constant 0 : i32
      %dma_start3A_525 = arith.constant 0 : i32
      %dma_start3A_526 = tpu.memref_slice %arg6[%dma_start3A_523, %dma_start3A_524, %dma_start3A_525] : memref<8x50x128xf32, #tpu.memory_space<vmem>> -> memref<1x50x128xf32, #tpu.memory_space<vmem>>
      %dma_start3A_527 = tpu.memref_squeeze %dma_start3A_526 : memref<1x50x128xf32, #tpu.memory_space<vmem>> -> memref<50x128xf32, #tpu.memory_space<vmem>>
      %dma_start3A_528 = arith.constant 0 : i32
      %dma_start3A_529 = tpu.memref_slice %arg5[%add3A_473, %dma_start3A_528] : memref<128x50xi32, #tpu.memory_space<vmem>> -> memref<1x50xi32, #tpu.memory_space<vmem>>
      %dma_start3A_530 = tpu.memref_squeeze %dma_start3A_529 : memref<1x50xi32, #tpu.memory_space<vmem>> -> memref<50xi32, #tpu.memory_space<vmem>>
      %dma_start3A_531 = arith.constant 0 : i32
      %dma_start3A_532 = arith.constant 0 : i32
      %dma_start3A_533 = tpu.memref_slice %arg3[%dma_start3A_531, %dma_start3A_532] : memref<100001x128xf32, #tpu.memory_space<hbm>> -> memref<100001x128xf32, #tpu.memory_space<hbm>>
      tpu.enqueue_indirect_dma source(%dma_start3A_533 : memref<100001x128xf32, #tpu.memory_space<hbm>>) target(%dma_start3A_527 : memref<50x128xf32, #tpu.memory_space<vmem>>) offsets(%dma_start3A_530 : memref<50xi32, #tpu.memory_space<vmem>>) semaphore(%arg11 : memref<!tpu.dma_semaphore, #tpu.memory_space<semaphore_mem>>)
      %add3A_534 = arith.constant 5 : i32
      %add3A_535 = arith.addi %add3A_224, %add3A_534 : i32
      %dma_wait3A_536 = arith.constant 5 : i32
      %dma_wait3A_537 = arith.constant 5 : i32
      %dma_wait3A_538 = arith.constant 0 : i32
      %dma_wait3A_539 = arith.constant 0 : i32
      %dma_wait3A_540 = tpu.memref_slice %arg6[%dma_wait3A_537, %dma_wait3A_538, %dma_wait3A_539] : memref<8x50x128xf32, #tpu.memory_space<vmem>> -> memref<1x50x128xf32, #tpu.memory_space<vmem>>
      %dma_wait3A_541 = tpu.memref_squeeze %dma_wait3A_540 : memref<1x50x128xf32, #tpu.memory_space<vmem>> -> memref<50x128xf32, #tpu.memory_space<vmem>>
      %dma_wait3A_542 = arith.constant 0 : i32
      %dma_wait3A_543 = tpu.memref_slice %arg5[%dma_wait3A_536, %dma_wait3A_542] : memref<128x50xi32, #tpu.memory_space<vmem>> -> memref<1x50xi32, #tpu.memory_space<vmem>>
      %dma_wait3A_544 = tpu.memref_squeeze %dma_wait3A_543 : memref<1x50xi32, #tpu.memory_space<vmem>> -> memref<50xi32, #tpu.memory_space<vmem>>
      %dma_wait3A_545 = arith.constant 0 : i32
      %dma_wait3A_546 = arith.constant 0 : i32
      %dma_wait3A_547 = tpu.memref_slice %arg3[%dma_wait3A_545, %dma_wait3A_546] : memref<100001x128xf32, #tpu.memory_space<hbm>> -> memref<100001x128xf32, #tpu.memory_space<hbm>>
      tpu.wait_indirect_dma semaphore(%arg12 : memref<!tpu.dma_semaphore, #tpu.memory_space<semaphore_mem>>) src(%dma_wait3A_547 : memref<100001x128xf32, #tpu.memory_space<hbm>>) dst(%dma_wait3A_541 : memref<50x128xf32, #tpu.memory_space<vmem>>)
      %add3A_548 = arith.addi %mul3A_2, %add3A_535 : i32
      %sub3A_549 = arith.constant 8 : i32
      %sub3A_550 = arith.subi %add3A_548, %sub3A_549 : i32
      %dma_start3A_551 = arith.constant 5 : i32
      %dma_start3A_552 = arith.constant 0 : i32
      %dma_start3A_553 = arith.constant 0 : i32
      %dma_start3A_554 = tpu.memref_slice %arg6[%dma_start3A_551, %dma_start3A_552, %dma_start3A_553] : memref<8x50x128xf32, #tpu.memory_space<vmem>> -> memref<1x50x128xf32, #tpu.memory_space<vmem>>
      %dma_start3A_555 = tpu.memref_squeeze %dma_start3A_554 : memref<1x50x128xf32, #tpu.memory_space<vmem>> -> memref<50x128xf32, #tpu.memory_space<vmem>>
      %dma_start3A_556 = arith.constant 0 : i32
      %dma_start3A_557 = arith.constant 0 : i32
      %dma_start3A_558 = tpu.memref_slice %arg4[%sub3A_550, %dma_start3A_556, %dma_start3A_557] : memref<4096x50x128xf32, #tpu.memory_space<hbm>> -> memref<1x50x128xf32, #tpu.memory_space<hbm>>
      %dma_start3A_559 = tpu.memref_squeeze %dma_start3A_558 : memref<1x50x128xf32, #tpu.memory_space<hbm>> -> memref<50x128xf32, #tpu.memory_space<hbm>>
      %dma_start3A_560 = arith.constant 0 : i32
      %dma_start3A_561 = arith.constant 0 : i32
      %dma_start3A_562 = tpu.memref_slice %arg4[%sub3A_550, %dma_start3A_560, %dma_start3A_561] : memref<4096x50x128xf32, #tpu.memory_space<hbm>> -> memref<1x50x128xf32, #tpu.memory_space<hbm>>
      %dma_start3A_563 = tpu.memref_squeeze %dma_start3A_562 : memref<1x50x128xf32, #tpu.memory_space<hbm>> -> memref<50x128xf32, #tpu.memory_space<hbm>>
      %dma_start3A_564 = arith.constant 0 : i32
      %dma_start3A_565 = arith.constant 0 : i32
      %dma_start3A_566 = tpu.memref_slice %arg6[%dma_start3A_551, %dma_start3A_564, %dma_start3A_565] : memref<8x50x128xf32, #tpu.memory_space<vmem>> -> memref<1x50x128xf32, #tpu.memory_space<vmem>>
      %dma_start3A_567 = tpu.memref_squeeze %dma_start3A_566 : memref<1x50x128xf32, #tpu.memory_space<vmem>> -> memref<50x128xf32, #tpu.memory_space<vmem>>
      tpu.enqueue_dma source(%dma_start3A_567 : memref<50x128xf32, #tpu.memory_space<vmem>>) target(%dma_start3A_563 : memref<50x128xf32, #tpu.memory_space<hbm>>) target_semaphore(%arg20 : memref<!tpu.dma_semaphore, #tpu.memory_space<semaphore_mem>>)
      %dma_wait3A_568 = arith.constant 5 : i32
      %dma_wait3A_569 = arith.constant 0 : i32
      %dma_wait3A_570 = arith.constant 0 : i32
      %dma_wait3A_571 = tpu.memref_slice %arg6[%dma_wait3A_568, %dma_wait3A_569, %dma_wait3A_570] : memref<8x50x128xf32, #tpu.memory_space<vmem>> -> memref<1x50x128xf32, #tpu.memory_space<vmem>>
      %dma_wait3A_572 = tpu.memref_squeeze %dma_wait3A_571 : memref<1x50x128xf32, #tpu.memory_space<vmem>> -> memref<50x128xf32, #tpu.memory_space<vmem>>
      %dma_wait3A_573 = arith.constant 0 : i32
      %dma_wait3A_574 = arith.constant 0 : i32
      %dma_wait3A_575 = tpu.memref_slice %arg4[%sub3A_550, %dma_wait3A_573, %dma_wait3A_574] : memref<4096x50x128xf32, #tpu.memory_space<hbm>> -> memref<1x50x128xf32, #tpu.memory_space<hbm>>
      %dma_wait3A_576 = tpu.memref_squeeze %dma_wait3A_575 : memref<1x50x128xf32, #tpu.memory_space<hbm>> -> memref<50x128xf32, #tpu.memory_space<hbm>>
      %dma_wait3A_577 = arith.constant 0 : i32
      %dma_wait3A_578 = arith.constant 0 : i32
      %dma_wait3A_579 = tpu.memref_slice %arg4[%sub3A_550, %dma_wait3A_577, %dma_wait3A_578] : memref<4096x50x128xf32, #tpu.memory_space<hbm>> -> memref<1x50x128xf32, #tpu.memory_space<hbm>>
      %dma_wait3A_580 = tpu.memref_squeeze %dma_wait3A_579 : memref<1x50x128xf32, #tpu.memory_space<hbm>> -> memref<50x128xf32, #tpu.memory_space<hbm>>
      %dma_wait3A_581 = arith.constant 0 : i32
      %dma_wait3A_582 = arith.constant 0 : i32
      %dma_wait3A_583 = tpu.memref_slice %arg6[%dma_wait3A_568, %dma_wait3A_581, %dma_wait3A_582] : memref<8x50x128xf32, #tpu.memory_space<vmem>> -> memref<1x50x128xf32, #tpu.memory_space<vmem>>
      %dma_wait3A_584 = tpu.memref_squeeze %dma_wait3A_583 : memref<1x50x128xf32, #tpu.memory_space<vmem>> -> memref<50x128xf32, #tpu.memory_space<vmem>>
      tpu.wait_dma2 semaphore(%arg20 : memref<!tpu.dma_semaphore, #tpu.memory_space<semaphore_mem>>) src(%dma_wait3A_584 : memref<50x128xf32, #tpu.memory_space<vmem>>) dst(%dma_wait3A_580 : memref<50x128xf32, #tpu.memory_space<hbm>>)
      %dma_start3A_585 = arith.constant 5 : i32
      %dma_start3A_586 = arith.constant 0 : i32
      %dma_start3A_587 = arith.constant 0 : i32
      %dma_start3A_588 = tpu.memref_slice %arg6[%dma_start3A_585, %dma_start3A_586, %dma_start3A_587] : memref<8x50x128xf32, #tpu.memory_space<vmem>> -> memref<1x50x128xf32, #tpu.memory_space<vmem>>
      %dma_start3A_589 = tpu.memref_squeeze %dma_start3A_588 : memref<1x50x128xf32, #tpu.memory_space<vmem>> -> memref<50x128xf32, #tpu.memory_space<vmem>>
      %dma_start3A_590 = arith.constant 0 : i32
      %dma_start3A_591 = tpu.memref_slice %arg5[%add3A_535, %dma_start3A_590] : memref<128x50xi32, #tpu.memory_space<vmem>> -> memref<1x50xi32, #tpu.memory_space<vmem>>
      %dma_start3A_592 = tpu.memref_squeeze %dma_start3A_591 : memref<1x50xi32, #tpu.memory_space<vmem>> -> memref<50xi32, #tpu.memory_space<vmem>>
      %dma_start3A_593 = arith.constant 0 : i32
      %dma_start3A_594 = arith.constant 0 : i32
      %dma_start3A_595 = tpu.memref_slice %arg3[%dma_start3A_593, %dma_start3A_594] : memref<100001x128xf32, #tpu.memory_space<hbm>> -> memref<100001x128xf32, #tpu.memory_space<hbm>>
      tpu.enqueue_indirect_dma source(%dma_start3A_595 : memref<100001x128xf32, #tpu.memory_space<hbm>>) target(%dma_start3A_589 : memref<50x128xf32, #tpu.memory_space<vmem>>) offsets(%dma_start3A_592 : memref<50xi32, #tpu.memory_space<vmem>>) semaphore(%arg12 : memref<!tpu.dma_semaphore, #tpu.memory_space<semaphore_mem>>)
      %add3A_596 = arith.constant 6 : i32
      %add3A_597 = arith.addi %add3A_224, %add3A_596 : i32
      %dma_wait3A_598 = arith.constant 6 : i32
      %dma_wait3A_599 = arith.constant 6 : i32
      %dma_wait3A_600 = arith.constant 0 : i32
      %dma_wait3A_601 = arith.constant 0 : i32
      %dma_wait3A_602 = tpu.memref_slice %arg6[%dma_wait3A_599, %dma_wait3A_600, %dma_wait3A_601] : memref<8x50x128xf32, #tpu.memory_space<vmem>> -> memref<1x50x128xf32, #tpu.memory_space<vmem>>
      %dma_wait3A_603 = tpu.memref_squeeze %dma_wait3A_602 : memref<1x50x128xf32, #tpu.memory_space<vmem>> -> memref<50x128xf32, #tpu.memory_space<vmem>>
      %dma_wait3A_604 = arith.constant 0 : i32
      %dma_wait3A_605 = tpu.memref_slice %arg5[%dma_wait3A_598, %dma_wait3A_604] : memref<128x50xi32, #tpu.memory_space<vmem>> -> memref<1x50xi32, #tpu.memory_space<vmem>>
      %dma_wait3A_606 = tpu.memref_squeeze %dma_wait3A_605 : memref<1x50xi32, #tpu.memory_space<vmem>> -> memref<50xi32, #tpu.memory_space<vmem>>
      %dma_wait3A_607 = arith.constant 0 : i32
      %dma_wait3A_608 = arith.constant 0 : i32
      %dma_wait3A_609 = tpu.memref_slice %arg3[%dma_wait3A_607, %dma_wait3A_608] : memref<100001x128xf32, #tpu.memory_space<hbm>> -> memref<100001x128xf32, #tpu.memory_space<hbm>>
      tpu.wait_indirect_dma semaphore(%arg13 : memref<!tpu.dma_semaphore, #tpu.memory_space<semaphore_mem>>) src(%dma_wait3A_609 : memref<100001x128xf32, #tpu.memory_space<hbm>>) dst(%dma_wait3A_603 : memref<50x128xf32, #tpu.memory_space<vmem>>)
      %add3A_610 = arith.addi %mul3A_2, %add3A_597 : i32
      %sub3A_611 = arith.constant 8 : i32
      %sub3A_612 = arith.subi %add3A_610, %sub3A_611 : i32
      %dma_start3A_613 = arith.constant 6 : i32
      %dma_start3A_614 = arith.constant 0 : i32
      %dma_start3A_615 = arith.constant 0 : i32
      %dma_start3A_616 = tpu.memref_slice %arg6[%dma_start3A_613, %dma_start3A_614, %dma_start3A_615] : memref<8x50x128xf32, #tpu.memory_space<vmem>> -> memref<1x50x128xf32, #tpu.memory_space<vmem>>
      %dma_start3A_617 = tpu.memref_squeeze %dma_start3A_616 : memref<1x50x128xf32, #tpu.memory_space<vmem>> -> memref<50x128xf32, #tpu.memory_space<vmem>>
      %dma_start3A_618 = arith.constant 0 : i32
      %dma_start3A_619 = arith.constant 0 : i32
      %dma_start3A_620 = tpu.memref_slice %arg4[%sub3A_612, %dma_start3A_618, %dma_start3A_619] : memref<4096x50x128xf32, #tpu.memory_space<hbm>> -> memref<1x50x128xf32, #tpu.memory_space<hbm>>
      %dma_start3A_621 = tpu.memref_squeeze %dma_start3A_620 : memref<1x50x128xf32, #tpu.memory_space<hbm>> -> memref<50x128xf32, #tpu.memory_space<hbm>>
      %dma_start3A_622 = arith.constant 0 : i32
      %dma_start3A_623 = arith.constant 0 : i32
      %dma_start3A_624 = tpu.memref_slice %arg4[%sub3A_612, %dma_start3A_622, %dma_start3A_623] : memref<4096x50x128xf32, #tpu.memory_space<hbm>> -> memref<1x50x128xf32, #tpu.memory_space<hbm>>
      %dma_start3A_625 = tpu.memref_squeeze %dma_start3A_624 : memref<1x50x128xf32, #tpu.memory_space<hbm>> -> memref<50x128xf32, #tpu.memory_space<hbm>>
      %dma_start3A_626 = arith.constant 0 : i32
      %dma_start3A_627 = arith.constant 0 : i32
      %dma_start3A_628 = tpu.memref_slice %arg6[%dma_start3A_613, %dma_start3A_626, %dma_start3A_627] : memref<8x50x128xf32, #tpu.memory_space<vmem>> -> memref<1x50x128xf32, #tpu.memory_space<vmem>>
      %dma_start3A_629 = tpu.memref_squeeze %dma_start3A_628 : memref<1x50x128xf32, #tpu.memory_space<vmem>> -> memref<50x128xf32, #tpu.memory_space<vmem>>
      tpu.enqueue_dma source(%dma_start3A_629 : memref<50x128xf32, #tpu.memory_space<vmem>>) target(%dma_start3A_625 : memref<50x128xf32, #tpu.memory_space<hbm>>) target_semaphore(%arg21 : memref<!tpu.dma_semaphore, #tpu.memory_space<semaphore_mem>>)
      %dma_wait3A_630 = arith.constant 6 : i32
      %dma_wait3A_631 = arith.constant 0 : i32
      %dma_wait3A_632 = arith.constant 0 : i32
      %dma_wait3A_633 = tpu.memref_slice %arg6[%dma_wait3A_630, %dma_wait3A_631, %dma_wait3A_632] : memref<8x50x128xf32, #tpu.memory_space<vmem>> -> memref<1x50x128xf32, #tpu.memory_space<vmem>>
      %dma_wait3A_634 = tpu.memref_squeeze %dma_wait3A_633 : memref<1x50x128xf32, #tpu.memory_space<vmem>> -> memref<50x128xf32, #tpu.memory_space<vmem>>
      %dma_wait3A_635 = arith.constant 0 : i32
      %dma_wait3A_636 = arith.constant 0 : i32
      %dma_wait3A_637 = tpu.memref_slice %arg4[%sub3A_612, %dma_wait3A_635, %dma_wait3A_636] : memref<4096x50x128xf32, #tpu.memory_space<hbm>> -> memref<1x50x128xf32, #tpu.memory_space<hbm>>
      %dma_wait3A_638 = tpu.memref_squeeze %dma_wait3A_637 : memref<1x50x128xf32, #tpu.memory_space<hbm>> -> memref<50x128xf32, #tpu.memory_space<hbm>>
      %dma_wait3A_639 = arith.constant 0 : i32
      %dma_wait3A_640 = arith.constant 0 : i32
      %dma_wait3A_641 = tpu.memref_slice %arg4[%sub3A_612, %dma_wait3A_639, %dma_wait3A_640] : memref<4096x50x128xf32, #tpu.memory_space<hbm>> -> memref<1x50x128xf32, #tpu.memory_space<hbm>>
      %dma_wait3A_642 = tpu.memref_squeeze %dma_wait3A_641 : memref<1x50x128xf32, #tpu.memory_space<hbm>> -> memref<50x128xf32, #tpu.memory_space<hbm>>
      %dma_wait3A_643 = arith.constant 0 : i32
      %dma_wait3A_644 = arith.constant 0 : i32
      %dma_wait3A_645 = tpu.memref_slice %arg6[%dma_wait3A_630, %dma_wait3A_643, %dma_wait3A_644] : memref<8x50x128xf32, #tpu.memory_space<vmem>> -> memref<1x50x128xf32, #tpu.memory_space<vmem>>
      %dma_wait3A_646 = tpu.memref_squeeze %dma_wait3A_645 : memref<1x50x128xf32, #tpu.memory_space<vmem>> -> memref<50x128xf32, #tpu.memory_space<vmem>>
      tpu.wait_dma2 semaphore(%arg21 : memref<!tpu.dma_semaphore, #tpu.memory_space<semaphore_mem>>) src(%dma_wait3A_646 : memref<50x128xf32, #tpu.memory_space<vmem>>) dst(%dma_wait3A_642 : memref<50x128xf32, #tpu.memory_space<hbm>>)
      %dma_start3A_647 = arith.constant 6 : i32
      %dma_start3A_648 = arith.constant 0 : i32
      %dma_start3A_649 = arith.constant 0 : i32
      %dma_start3A_650 = tpu.memref_slice %arg6[%dma_start3A_647, %dma_start3A_648, %dma_start3A_649] : memref<8x50x128xf32, #tpu.memory_space<vmem>> -> memref<1x50x128xf32, #tpu.memory_space<vmem>>
      %dma_start3A_651 = tpu.memref_squeeze %dma_start3A_650 : memref<1x50x128xf32, #tpu.memory_space<vmem>> -> memref<50x128xf32, #tpu.memory_space<vmem>>
      %dma_start3A_652 = arith.constant 0 : i32
      %dma_start3A_653 = tpu.memref_slice %arg5[%add3A_597, %dma_start3A_652] : memref<128x50xi32, #tpu.memory_space<vmem>> -> memref<1x50xi32, #tpu.memory_space<vmem>>
      %dma_start3A_654 = tpu.memref_squeeze %dma_start3A_653 : memref<1x50xi32, #tpu.memory_space<vmem>> -> memref<50xi32, #tpu.memory_space<vmem>>
      %dma_start3A_655 = arith.constant 0 : i32
      %dma_start3A_656 = arith.constant 0 : i32
      %dma_start3A_657 = tpu.memref_slice %arg3[%dma_start3A_655, %dma_start3A_656] : memref<100001x128xf32, #tpu.memory_space<hbm>> -> memref<100001x128xf32, #tpu.memory_space<hbm>>
      tpu.enqueue_indirect_dma source(%dma_start3A_657 : memref<100001x128xf32, #tpu.memory_space<hbm>>) target(%dma_start3A_651 : memref<50x128xf32, #tpu.memory_space<vmem>>) offsets(%dma_start3A_654 : memref<50xi32, #tpu.memory_space<vmem>>) semaphore(%arg13 : memref<!tpu.dma_semaphore, #tpu.memory_space<semaphore_mem>>)
      %add3A_658 = arith.constant 7 : i32
      %add3A_659 = arith.addi %add3A_224, %add3A_658 : i32
      %dma_wait3A_660 = arith.constant 7 : i32
      %dma_wait3A_661 = arith.constant 7 : i32
      %dma_wait3A_662 = arith.constant 0 : i32
      %dma_wait3A_663 = arith.constant 0 : i32
      %dma_wait3A_664 = tpu.memref_slice %arg6[%dma_wait3A_661, %dma_wait3A_662, %dma_wait3A_663] : memref<8x50x128xf32, #tpu.memory_space<vmem>> -> memref<1x50x128xf32, #tpu.memory_space<vmem>>
      %dma_wait3A_665 = tpu.memref_squeeze %dma_wait3A_664 : memref<1x50x128xf32, #tpu.memory_space<vmem>> -> memref<50x128xf32, #tpu.memory_space<vmem>>
      %dma_wait3A_666 = arith.constant 0 : i32
      %dma_wait3A_667 = tpu.memref_slice %arg5[%dma_wait3A_660, %dma_wait3A_666] : memref<128x50xi32, #tpu.memory_space<vmem>> -> memref<1x50xi32, #tpu.memory_space<vmem>>
      %dma_wait3A_668 = tpu.memref_squeeze %dma_wait3A_667 : memref<1x50xi32, #tpu.memory_space<vmem>> -> memref<50xi32, #tpu.memory_space<vmem>>
      %dma_wait3A_669 = arith.constant 0 : i32
      %dma_wait3A_670 = arith.constant 0 : i32
      %dma_wait3A_671 = tpu.memref_slice %arg3[%dma_wait3A_669, %dma_wait3A_670] : memref<100001x128xf32, #tpu.memory_space<hbm>> -> memref<100001x128xf32, #tpu.memory_space<hbm>>
      tpu.wait_indirect_dma semaphore(%arg14 : memref<!tpu.dma_semaphore, #tpu.memory_space<semaphore_mem>>) src(%dma_wait3A_671 : memref<100001x128xf32, #tpu.memory_space<hbm>>) dst(%dma_wait3A_665 : memref<50x128xf32, #tpu.memory_space<vmem>>)
      %add3A_672 = arith.addi %mul3A_2, %add3A_659 : i32
      %sub3A_673 = arith.constant 8 : i32
      %sub3A_674 = arith.subi %add3A_672, %sub3A_673 : i32
      %dma_start3A_675 = arith.constant 7 : i32
      %dma_start3A_676 = arith.constant 0 : i32
      %dma_start3A_677 = arith.constant 0 : i32
      %dma_start3A_678 = tpu.memref_slice %arg6[%dma_start3A_675, %dma_start3A_676, %dma_start3A_677] : memref<8x50x128xf32, #tpu.memory_space<vmem>> -> memref<1x50x128xf32, #tpu.memory_space<vmem>>
      %dma_start3A_679 = tpu.memref_squeeze %dma_start3A_678 : memref<1x50x128xf32, #tpu.memory_space<vmem>> -> memref<50x128xf32, #tpu.memory_space<vmem>>
      %dma_start3A_680 = arith.constant 0 : i32
      %dma_start3A_681 = arith.constant 0 : i32
      %dma_start3A_682 = tpu.memref_slice %arg4[%sub3A_674, %dma_start3A_680, %dma_start3A_681] : memref<4096x50x128xf32, #tpu.memory_space<hbm>> -> memref<1x50x128xf32, #tpu.memory_space<hbm>>
      %dma_start3A_683 = tpu.memref_squeeze %dma_start3A_682 : memref<1x50x128xf32, #tpu.memory_space<hbm>> -> memref<50x128xf32, #tpu.memory_space<hbm>>
      %dma_start3A_684 = arith.constant 0 : i32
      %dma_start3A_685 = arith.constant 0 : i32
      %dma_start3A_686 = tpu.memref_slice %arg4[%sub3A_674, %dma_start3A_684, %dma_start3A_685] : memref<4096x50x128xf32, #tpu.memory_space<hbm>> -> memref<1x50x128xf32, #tpu.memory_space<hbm>>
      %dma_start3A_687 = tpu.memref_squeeze %dma_start3A_686 : memref<1x50x128xf32, #tpu.memory_space<hbm>> -> memref<50x128xf32, #tpu.memory_space<hbm>>
      %dma_start3A_688 = arith.constant 0 : i32
      %dma_start3A_689 = arith.constant 0 : i32
      %dma_start3A_690 = tpu.memref_slice %arg6[%dma_start3A_675, %dma_start3A_688, %dma_start3A_689] : memref<8x50x128xf32, #tpu.memory_space<vmem>> -> memref<1x50x128xf32, #tpu.memory_space<vmem>>
      %dma_start3A_691 = tpu.memref_squeeze %dma_start3A_690 : memref<1x50x128xf32, #tpu.memory_space<vmem>> -> memref<50x128xf32, #tpu.memory_space<vmem>>
      tpu.enqueue_dma source(%dma_start3A_691 : memref<50x128xf32, #tpu.memory_space<vmem>>) target(%dma_start3A_687 : memref<50x128xf32, #tpu.memory_space<hbm>>) target_semaphore(%arg22 : memref<!tpu.dma_semaphore, #tpu.memory_space<semaphore_mem>>)
      %dma_wait3A_692 = arith.constant 7 : i32
      %dma_wait3A_693 = arith.constant 0 : i32
      %dma_wait3A_694 = arith.constant 0 : i32
      %dma_wait3A_695 = tpu.memref_slice %arg6[%dma_wait3A_692, %dma_wait3A_693, %dma_wait3A_694] : memref<8x50x128xf32, #tpu.memory_space<vmem>> -> memref<1x50x128xf32, #tpu.memory_space<vmem>>
      %dma_wait3A_696 = tpu.memref_squeeze %dma_wait3A_695 : memref<1x50x128xf32, #tpu.memory_space<vmem>> -> memref<50x128xf32, #tpu.memory_space<vmem>>
      %dma_wait3A_697 = arith.constant 0 : i32
      %dma_wait3A_698 = arith.constant 0 : i32
      %dma_wait3A_699 = tpu.memref_slice %arg4[%sub3A_674, %dma_wait3A_697, %dma_wait3A_698] : memref<4096x50x128xf32, #tpu.memory_space<hbm>> -> memref<1x50x128xf32, #tpu.memory_space<hbm>>
      %dma_wait3A_700 = tpu.memref_squeeze %dma_wait3A_699 : memref<1x50x128xf32, #tpu.memory_space<hbm>> -> memref<50x128xf32, #tpu.memory_space<hbm>>
      %dma_wait3A_701 = arith.constant 0 : i32
      %dma_wait3A_702 = arith.constant 0 : i32
      %dma_wait3A_703 = tpu.memref_slice %arg4[%sub3A_674, %dma_wait3A_701, %dma_wait3A_702] : memref<4096x50x128xf32, #tpu.memory_space<hbm>> -> memref<1x50x128xf32, #tpu.memory_space<hbm>>
      %dma_wait3A_704 = tpu.memref_squeeze %dma_wait3A_703 : memref<1x50x128xf32, #tpu.memory_space<hbm>> -> memref<50x128xf32, #tpu.memory_space<hbm>>
      %dma_wait3A_705 = arith.constant 0 : i32
      %dma_wait3A_706 = arith.constant 0 : i32
      %dma_wait3A_707 = tpu.memref_slice %arg6[%dma_wait3A_692, %dma_wait3A_705, %dma_wait3A_706] : memref<8x50x128xf32, #tpu.memory_space<vmem>> -> memref<1x50x128xf32, #tpu.memory_space<vmem>>
      %dma_wait3A_708 = tpu.memref_squeeze %dma_wait3A_707 : memref<1x50x128xf32, #tpu.memory_space<vmem>> -> memref<50x128xf32, #tpu.memory_space<vmem>>
      tpu.wait_dma2 semaphore(%arg22 : memref<!tpu.dma_semaphore, #tpu.memory_space<semaphore_mem>>) src(%dma_wait3A_708 : memref<50x128xf32, #tpu.memory_space<vmem>>) dst(%dma_wait3A_704 : memref<50x128xf32, #tpu.memory_space<hbm>>)
      %dma_start3A_709 = arith.constant 7 : i32
      %dma_start3A_710 = arith.constant 0 : i32
      %dma_start3A_711 = arith.constant 0 : i32
      %dma_start3A_712 = tpu.memref_slice %arg6[%dma_start3A_709, %dma_start3A_710, %dma_start3A_711] : memref<8x50x128xf32, #tpu.memory_space<vmem>> -> memref<1x50x128xf32, #tpu.memory_space<vmem>>
      %dma_start3A_713 = tpu.memref_squeeze %dma_start3A_712 : memref<1x50x128xf32, #tpu.memory_space<vmem>> -> memref<50x128xf32, #tpu.memory_space<vmem>>
      %dma_start3A_714 = arith.constant 0 : i32
      %dma_start3A_715 = tpu.memref_slice %arg5[%add3A_659, %dma_start3A_714] : memref<128x50xi32, #tpu.memory_space<vmem>> -> memref<1x50xi32, #tpu.memory_space<vmem>>
      %dma_start3A_716 = tpu.memref_squeeze %dma_start3A_715 : memref<1x50xi32, #tpu.memory_space<vmem>> -> memref<50xi32, #tpu.memory_space<vmem>>
      %dma_start3A_717 = arith.constant 0 : i32
      %dma_start3A_718 = arith.constant 0 : i32
      %dma_start3A_719 = tpu.memref_slice %arg3[%dma_start3A_717, %dma_start3A_718] : memref<100001x128xf32, #tpu.memory_space<hbm>> -> memref<100001x128xf32, #tpu.memory_space<hbm>>
      tpu.enqueue_indirect_dma source(%dma_start3A_719 : memref<100001x128xf32, #tpu.memory_space<hbm>>) target(%dma_start3A_713 : memref<50x128xf32, #tpu.memory_space<vmem>>) offsets(%dma_start3A_716 : memref<50xi32, #tpu.memory_space<vmem>>) semaphore(%arg14 : memref<!tpu.dma_semaphore, #tpu.memory_space<semaphore_mem>>)
    }
    %scan3A_101 = arith.constant 15 : i32
    %dma_wait3A = arith.constant 0 : i32
    %dma_wait3A_102 = arith.constant 0 : i32
    %dma_wait3A_103 = arith.constant 0 : i32
    %dma_wait3A_104 = arith.constant 0 : i32
    %dma_wait3A_105 = tpu.memref_slice %arg6[%dma_wait3A_102, %dma_wait3A_103, %dma_wait3A_104] : memref<8x50x128xf32, #tpu.memory_space<vmem>> -> memref<1x50x128xf32, #tpu.memory_space<vmem>>
    %dma_wait3A_106 = tpu.memref_squeeze %dma_wait3A_105 : memref<1x50x128xf32, #tpu.memory_space<vmem>> -> memref<50x128xf32, #tpu.memory_space<vmem>>
    %dma_wait3A_107 = arith.constant 0 : i32
    %dma_wait3A_108 = tpu.memref_slice %arg5[%dma_wait3A, %dma_wait3A_107] : memref<128x50xi32, #tpu.memory_space<vmem>> -> memref<1x50xi32, #tpu.memory_space<vmem>>
    %dma_wait3A_109 = tpu.memref_squeeze %dma_wait3A_108 : memref<1x50xi32, #tpu.memory_space<vmem>> -> memref<50xi32, #tpu.memory_space<vmem>>
    %dma_wait3A_110 = arith.constant 0 : i32
    %dma_wait3A_111 = arith.constant 0 : i32
    %dma_wait3A_112 = tpu.memref_slice %arg3[%dma_wait3A_110, %dma_wait3A_111] : memref<100001x128xf32, #tpu.memory_space<hbm>> -> memref<100001x128xf32, #tpu.memory_space<hbm>>
    tpu.wait_indirect_dma semaphore(%arg7 : memref<!tpu.dma_semaphore, #tpu.memory_space<semaphore_mem>>) src(%dma_wait3A_112 : memref<100001x128xf32, #tpu.memory_space<hbm>>) dst(%dma_wait3A_106 : memref<50x128xf32, #tpu.memory_space<vmem>>)
    %add3A_113 = arith.constant 120 : i32
    %add3A_114 = arith.addi %mul3A_2, %add3A_113 : i32
    %run_scoped3A = arith.constant 0 : i32
    "tpu.region"() ({
      %run_scoped3A_220 = tpu.sem_alloc : memref<!tpu.dma_semaphore, #tpu.memory_space<semaphore_mem>>
      %dma_start3A_221 = arith.constant 0 : i32
      %dma_start3A_222 = arith.constant 0 : i32
      %dma_start3A_223 = tpu.memref_slice %arg6[%run_scoped3A, %dma_start3A_221, %dma_start3A_222] : memref<8x50x128xf32, #tpu.memory_space<vmem>> -> memref<1x50x128xf32, #tpu.memory_space<vmem>>
      %dma_start3A_224 = tpu.memref_squeeze %dma_start3A_223 : memref<1x50x128xf32, #tpu.memory_space<vmem>> -> memref<50x128xf32, #tpu.memory_space<vmem>>
      %dma_start3A_225 = arith.constant 0 : i32
      %dma_start3A_226 = arith.constant 0 : i32
      %dma_start3A_227 = tpu.memref_slice %arg4[%add3A_114, %dma_start3A_225, %dma_start3A_226] : memref<4096x50x128xf32, #tpu.memory_space<hbm>> -> memref<1x50x128xf32, #tpu.memory_space<hbm>>
      %dma_start3A_228 = tpu.memref_squeeze %dma_start3A_227 : memref<1x50x128xf32, #tpu.memory_space<hbm>> -> memref<50x128xf32, #tpu.memory_space<hbm>>
      %dma_start3A_229 = arith.constant 0 : i32
      %dma_start3A_230 = arith.constant 0 : i32
      %dma_start3A_231 = tpu.memref_slice %arg4[%add3A_114, %dma_start3A_229, %dma_start3A_230] : memref<4096x50x128xf32, #tpu.memory_space<hbm>> -> memref<1x50x128xf32, #tpu.memory_space<hbm>>
      %dma_start3A_232 = tpu.memref_squeeze %dma_start3A_231 : memref<1x50x128xf32, #tpu.memory_space<hbm>> -> memref<50x128xf32, #tpu.memory_space<hbm>>
      %dma_start3A_233 = arith.constant 0 : i32
      %dma_start3A_234 = arith.constant 0 : i32
      %dma_start3A_235 = tpu.memref_slice %arg6[%run_scoped3A, %dma_start3A_233, %dma_start3A_234] : memref<8x50x128xf32, #tpu.memory_space<vmem>> -> memref<1x50x128xf32, #tpu.memory_space<vmem>>
      %dma_start3A_236 = tpu.memref_squeeze %dma_start3A_235 : memref<1x50x128xf32, #tpu.memory_space<vmem>> -> memref<50x128xf32, #tpu.memory_space<vmem>>
      tpu.enqueue_dma source(%dma_start3A_236 : memref<50x128xf32, #tpu.memory_space<vmem>>) target(%dma_start3A_232 : memref<50x128xf32, #tpu.memory_space<hbm>>) target_semaphore(%run_scoped3A_220 : memref<!tpu.dma_semaphore, #tpu.memory_space<semaphore_mem>>)
      %dma_wait3A_237 = arith.constant 0 : i32
      %dma_wait3A_238 = arith.constant 0 : i32
      %dma_wait3A_239 = tpu.memref_slice %arg6[%run_scoped3A, %dma_wait3A_237, %dma_wait3A_238] : memref<8x50x128xf32, #tpu.memory_space<vmem>> -> memref<1x50x128xf32, #tpu.memory_space<vmem>>
      %dma_wait3A_240 = tpu.memref_squeeze %dma_wait3A_239 : memref<1x50x128xf32, #tpu.memory_space<vmem>> -> memref<50x128xf32, #tpu.memory_space<vmem>>
      %dma_wait3A_241 = arith.constant 0 : i32
      %dma_wait3A_242 = arith.constant 0 : i32
      %dma_wait3A_243 = tpu.memref_slice %arg4[%add3A_114, %dma_wait3A_241, %dma_wait3A_242] : memref<4096x50x128xf32, #tpu.memory_space<hbm>> -> memref<1x50x128xf32, #tpu.memory_space<hbm>>
      %dma_wait3A_244 = tpu.memref_squeeze %dma_wait3A_243 : memref<1x50x128xf32, #tpu.memory_space<hbm>> -> memref<50x128xf32, #tpu.memory_space<hbm>>
      %dma_wait3A_245 = arith.constant 0 : i32
      %dma_wait3A_246 = arith.constant 0 : i32
      %dma_wait3A_247 = tpu.memref_slice %arg4[%add3A_114, %dma_wait3A_245, %dma_wait3A_246] : memref<4096x50x128xf32, #tpu.memory_space<hbm>> -> memref<1x50x128xf32, #tpu.memory_space<hbm>>
      %dma_wait3A_248 = tpu.memref_squeeze %dma_wait3A_247 : memref<1x50x128xf32, #tpu.memory_space<hbm>> -> memref<50x128xf32, #tpu.memory_space<hbm>>
      %dma_wait3A_249 = arith.constant 0 : i32
      %dma_wait3A_250 = arith.constant 0 : i32
      %dma_wait3A_251 = tpu.memref_slice %arg6[%run_scoped3A, %dma_wait3A_249, %dma_wait3A_250] : memref<8x50x128xf32, #tpu.memory_space<vmem>> -> memref<1x50x128xf32, #tpu.memory_space<vmem>>
      %dma_wait3A_252 = tpu.memref_squeeze %dma_wait3A_251 : memref<1x50x128xf32, #tpu.memory_space<vmem>> -> memref<50x128xf32, #tpu.memory_space<vmem>>
      tpu.wait_dma2 semaphore(%run_scoped3A_220 : memref<!tpu.dma_semaphore, #tpu.memory_space<semaphore_mem>>) src(%dma_wait3A_252 : memref<50x128xf32, #tpu.memory_space<vmem>>) dst(%dma_wait3A_248 : memref<50x128xf32, #tpu.memory_space<hbm>>)
      tpu.yield
    }) : () -> ()
    %dma_wait3A_115 = arith.constant 1 : i32
    %dma_wait3A_116 = arith.constant 1 : i32
    %dma_wait3A_117 = arith.constant 0 : i32
    %dma_wait3A_118 = arith.constant 0 : i32
    %dma_wait3A_119 = tpu.memref_slice %arg6[%dma_wait3A_116, %dma_wait3A_117, %dma_wait3A_118] : memref<8x50x128xf32, #tpu.memory_space<vmem>> -> memref<1x50x128xf32, #tpu.memory_space<vmem>>
    %dma_wait3A_120 = tpu.memref_squeeze %dma_wait3A_119 : memref<1x50x128xf32, #tpu.memory_space<vmem>> -> memref<50x128xf32, #tpu.memory_space<vmem>>
    %dma_wait3A_121 = arith.constant 0 : i32
    %dma_wait3A_122 = tpu.memref_slice %arg5[%dma_wait3A_115, %dma_wait3A_121] : memref<128x50xi32, #tpu.memory_space<vmem>> -> memref<1x50xi32, #tpu.memory_space<vmem>>
    %dma_wait3A_123 = tpu.memref_squeeze %dma_wait3A_122 : memref<1x50xi32, #tpu.memory_space<vmem>> -> memref<50xi32, #tpu.memory_space<vmem>>
    %dma_wait3A_124 = arith.constant 0 : i32
    %dma_wait3A_125 = arith.constant 0 : i32
    %dma_wait3A_126 = tpu.memref_slice %arg3[%dma_wait3A_124, %dma_wait3A_125] : memref<100001x128xf32, #tpu.memory_space<hbm>> -> memref<100001x128xf32, #tpu.memory_space<hbm>>
    tpu.wait_indirect_dma semaphore(%arg8 : memref<!tpu.dma_semaphore, #tpu.memory_space<semaphore_mem>>) src(%dma_wait3A_126 : memref<100001x128xf32, #tpu.memory_space<hbm>>) dst(%dma_wait3A_120 : memref<50x128xf32, #tpu.memory_space<vmem>>)
    %add3A_127 = arith.constant 121 : i32
    %add3A_128 = arith.addi %mul3A_2, %add3A_127 : i32
    %run_scoped3A_129 = arith.constant 1 : i32
    "tpu.region"() ({
      %run_scoped3A_220 = tpu.sem_alloc : memref<!tpu.dma_semaphore, #tpu.memory_space<semaphore_mem>>
      %dma_start3A_221 = arith.constant 0 : i32
      %dma_start3A_222 = arith.constant 0 : i32
      %dma_start3A_223 = tpu.memref_slice %arg6[%run_scoped3A_129, %dma_start3A_221, %dma_start3A_222] : memref<8x50x128xf32, #tpu.memory_space<vmem>> -> memref<1x50x128xf32, #tpu.memory_space<vmem>>
      %dma_start3A_224 = tpu.memref_squeeze %dma_start3A_223 : memref<1x50x128xf32, #tpu.memory_space<vmem>> -> memref<50x128xf32, #tpu.memory_space<vmem>>
      %dma_start3A_225 = arith.constant 0 : i32
      %dma_start3A_226 = arith.constant 0 : i32
      %dma_start3A_227 = tpu.memref_slice %arg4[%add3A_128, %dma_start3A_225, %dma_start3A_226] : memref<4096x50x128xf32, #tpu.memory_space<hbm>> -> memref<1x50x128xf32, #tpu.memory_space<hbm>>
      %dma_start3A_228 = tpu.memref_squeeze %dma_start3A_227 : memref<1x50x128xf32, #tpu.memory_space<hbm>> -> memref<50x128xf32, #tpu.memory_space<hbm>>
      %dma_start3A_229 = arith.constant 0 : i32
      %dma_start3A_230 = arith.constant 0 : i32
      %dma_start3A_231 = tpu.memref_slice %arg4[%add3A_128, %dma_start3A_229, %dma_start3A_230] : memref<4096x50x128xf32, #tpu.memory_space<hbm>> -> memref<1x50x128xf32, #tpu.memory_space<hbm>>
      %dma_start3A_232 = tpu.memref_squeeze %dma_start3A_231 : memref<1x50x128xf32, #tpu.memory_space<hbm>> -> memref<50x128xf32, #tpu.memory_space<hbm>>
      %dma_start3A_233 = arith.constant 0 : i32
      %dma_start3A_234 = arith.constant 0 : i32
      %dma_start3A_235 = tpu.memref_slice %arg6[%run_scoped3A_129, %dma_start3A_233, %dma_start3A_234] : memref<8x50x128xf32, #tpu.memory_space<vmem>> -> memref<1x50x128xf32, #tpu.memory_space<vmem>>
      %dma_start3A_236 = tpu.memref_squeeze %dma_start3A_235 : memref<1x50x128xf32, #tpu.memory_space<vmem>> -> memref<50x128xf32, #tpu.memory_space<vmem>>
      tpu.enqueue_dma source(%dma_start3A_236 : memref<50x128xf32, #tpu.memory_space<vmem>>) target(%dma_start3A_232 : memref<50x128xf32, #tpu.memory_space<hbm>>) target_semaphore(%run_scoped3A_220 : memref<!tpu.dma_semaphore, #tpu.memory_space<semaphore_mem>>)
      %dma_wait3A_237 = arith.constant 0 : i32
      %dma_wait3A_238 = arith.constant 0 : i32
      %dma_wait3A_239 = tpu.memref_slice %arg6[%run_scoped3A_129, %dma_wait3A_237, %dma_wait3A_238] : memref<8x50x128xf32, #tpu.memory_space<vmem>> -> memref<1x50x128xf32, #tpu.memory_space<vmem>>
      %dma_wait3A_240 = tpu.memref_squeeze %dma_wait3A_239 : memref<1x50x128xf32, #tpu.memory_space<vmem>> -> memref<50x128xf32, #tpu.memory_space<vmem>>
      %dma_wait3A_241 = arith.constant 0 : i32
      %dma_wait3A_242 = arith.constant 0 : i32
      %dma_wait3A_243 = tpu.memref_slice %arg4[%add3A_128, %dma_wait3A_241, %dma_wait3A_242] : memref<4096x50x128xf32, #tpu.memory_space<hbm>> -> memref<1x50x128xf32, #tpu.memory_space<hbm>>
      %dma_wait3A_244 = tpu.memref_squeeze %dma_wait3A_243 : memref<1x50x128xf32, #tpu.memory_space<hbm>> -> memref<50x128xf32, #tpu.memory_space<hbm>>
      %dma_wait3A_245 = arith.constant 0 : i32
      %dma_wait3A_246 = arith.constant 0 : i32
      %dma_wait3A_247 = tpu.memref_slice %arg4[%add3A_128, %dma_wait3A_245, %dma_wait3A_246] : memref<4096x50x128xf32, #tpu.memory_space<hbm>> -> memref<1x50x128xf32, #tpu.memory_space<hbm>>
      %dma_wait3A_248 = tpu.memref_squeeze %dma_wait3A_247 : memref<1x50x128xf32, #tpu.memory_space<hbm>> -> memref<50x128xf32, #tpu.memory_space<hbm>>
      %dma_wait3A_249 = arith.constant 0 : i32
      %dma_wait3A_250 = arith.constant 0 : i32
      %dma_wait3A_251 = tpu.memref_slice %arg6[%run_scoped3A_129, %dma_wait3A_249, %dma_wait3A_250] : memref<8x50x128xf32, #tpu.memory_space<vmem>> -> memref<1x50x128xf32, #tpu.memory_space<vmem>>
      %dma_wait3A_252 = tpu.memref_squeeze %dma_wait3A_251 : memref<1x50x128xf32, #tpu.memory_space<vmem>> -> memref<50x128xf32, #tpu.memory_space<vmem>>
      tpu.wait_dma2 semaphore(%run_scoped3A_220 : memref<!tpu.dma_semaphore, #tpu.memory_space<semaphore_mem>>) src(%dma_wait3A_252 : memref<50x128xf32, #tpu.memory_space<vmem>>) dst(%dma_wait3A_248 : memref<50x128xf32, #tpu.memory_space<hbm>>)
      tpu.yield
    }) : () -> ()
    %dma_wait3A_130 = arith.constant 2 : i32
    %dma_wait3A_131 = arith.constant 2 : i32
    %dma_wait3A_132 = arith.constant 0 : i32
    %dma_wait3A_133 = arith.constant 0 : i32
    %dma_wait3A_134 = tpu.memref_slice %arg6[%dma_wait3A_131, %dma_wait3A_132, %dma_wait3A_133] : memref<8x50x128xf32, #tpu.memory_space<vmem>> -> memref<1x50x128xf32, #tpu.memory_space<vmem>>
    %dma_wait3A_135 = tpu.memref_squeeze %dma_wait3A_134 : memref<1x50x128xf32, #tpu.memory_space<vmem>> -> memref<50x128xf32, #tpu.memory_space<vmem>>
    %dma_wait3A_136 = arith.constant 0 : i32
    %dma_wait3A_137 = tpu.memref_slice %arg5[%dma_wait3A_130, %dma_wait3A_136] : memref<128x50xi32, #tpu.memory_space<vmem>> -> memref<1x50xi32, #tpu.memory_space<vmem>>
    %dma_wait3A_138 = tpu.memref_squeeze %dma_wait3A_137 : memref<1x50xi32, #tpu.memory_space<vmem>> -> memref<50xi32, #tpu.memory_space<vmem>>
    %dma_wait3A_139 = arith.constant 0 : i32
    %dma_wait3A_140 = arith.constant 0 : i32
    %dma_wait3A_141 = tpu.memref_slice %arg3[%dma_wait3A_139, %dma_wait3A_140] : memref<100001x128xf32, #tpu.memory_space<hbm>> -> memref<100001x128xf32, #tpu.memory_space<hbm>>
    tpu.wait_indirect_dma semaphore(%arg9 : memref<!tpu.dma_semaphore, #tpu.memory_space<semaphore_mem>>) src(%dma_wait3A_141 : memref<100001x128xf32, #tpu.memory_space<hbm>>) dst(%dma_wait3A_135 : memref<50x128xf32, #tpu.memory_space<vmem>>)
    %add3A_142 = arith.constant 122 : i32
    %add3A_143 = arith.addi %mul3A_2, %add3A_142 : i32
    %run_scoped3A_144 = arith.constant 2 : i32
    "tpu.region"() ({
      %run_scoped3A_220 = tpu.sem_alloc : memref<!tpu.dma_semaphore, #tpu.memory_space<semaphore_mem>>
      %dma_start3A_221 = arith.constant 0 : i32
      %dma_start3A_222 = arith.constant 0 : i32
      %dma_start3A_223 = tpu.memref_slice %arg6[%run_scoped3A_144, %dma_start3A_221, %dma_start3A_222] : memref<8x50x128xf32, #tpu.memory_space<vmem>> -> memref<1x50x128xf32, #tpu.memory_space<vmem>>
      %dma_start3A_224 = tpu.memref_squeeze %dma_start3A_223 : memref<1x50x128xf32, #tpu.memory_space<vmem>> -> memref<50x128xf32, #tpu.memory_space<vmem>>
      %dma_start3A_225 = arith.constant 0 : i32
      %dma_start3A_226 = arith.constant 0 : i32
      %dma_start3A_227 = tpu.memref_slice %arg4[%add3A_143, %dma_start3A_225, %dma_start3A_226] : memref<4096x50x128xf32, #tpu.memory_space<hbm>> -> memref<1x50x128xf32, #tpu.memory_space<hbm>>
      %dma_start3A_228 = tpu.memref_squeeze %dma_start3A_227 : memref<1x50x128xf32, #tpu.memory_space<hbm>> -> memref<50x128xf32, #tpu.memory_space<hbm>>
      %dma_start3A_229 = arith.constant 0 : i32
      %dma_start3A_230 = arith.constant 0 : i32
      %dma_start3A_231 = tpu.memref_slice %arg4[%add3A_143, %dma_start3A_229, %dma_start3A_230] : memref<4096x50x128xf32, #tpu.memory_space<hbm>> -> memref<1x50x128xf32, #tpu.memory_space<hbm>>
      %dma_start3A_232 = tpu.memref_squeeze %dma_start3A_231 : memref<1x50x128xf32, #tpu.memory_space<hbm>> -> memref<50x128xf32, #tpu.memory_space<hbm>>
      %dma_start3A_233 = arith.constant 0 : i32
      %dma_start3A_234 = arith.constant 0 : i32
      %dma_start3A_235 = tpu.memref_slice %arg6[%run_scoped3A_144, %dma_start3A_233, %dma_start3A_234] : memref<8x50x128xf32, #tpu.memory_space<vmem>> -> memref<1x50x128xf32, #tpu.memory_space<vmem>>
      %dma_start3A_236 = tpu.memref_squeeze %dma_start3A_235 : memref<1x50x128xf32, #tpu.memory_space<vmem>> -> memref<50x128xf32, #tpu.memory_space<vmem>>
      tpu.enqueue_dma source(%dma_start3A_236 : memref<50x128xf32, #tpu.memory_space<vmem>>) target(%dma_start3A_232 : memref<50x128xf32, #tpu.memory_space<hbm>>) target_semaphore(%run_scoped3A_220 : memref<!tpu.dma_semaphore, #tpu.memory_space<semaphore_mem>>)
      %dma_wait3A_237 = arith.constant 0 : i32
      %dma_wait3A_238 = arith.constant 0 : i32
      %dma_wait3A_239 = tpu.memref_slice %arg6[%run_scoped3A_144, %dma_wait3A_237, %dma_wait3A_238] : memref<8x50x128xf32, #tpu.memory_space<vmem>> -> memref<1x50x128xf32, #tpu.memory_space<vmem>>
      %dma_wait3A_240 = tpu.memref_squeeze %dma_wait3A_239 : memref<1x50x128xf32, #tpu.memory_space<vmem>> -> memref<50x128xf32, #tpu.memory_space<vmem>>
      %dma_wait3A_241 = arith.constant 0 : i32
      %dma_wait3A_242 = arith.constant 0 : i32
      %dma_wait3A_243 = tpu.memref_slice %arg4[%add3A_143, %dma_wait3A_241, %dma_wait3A_242] : memref<4096x50x128xf32, #tpu.memory_space<hbm>> -> memref<1x50x128xf32, #tpu.memory_space<hbm>>
      %dma_wait3A_244 = tpu.memref_squeeze %dma_wait3A_243 : memref<1x50x128xf32, #tpu.memory_space<hbm>> -> memref<50x128xf32, #tpu.memory_space<hbm>>
      %dma_wait3A_245 = arith.constant 0 : i32
      %dma_wait3A_246 = arith.constant 0 : i32
      %dma_wait3A_247 = tpu.memref_slice %arg4[%add3A_143, %dma_wait3A_245, %dma_wait3A_246] : memref<4096x50x128xf32, #tpu.memory_space<hbm>> -> memref<1x50x128xf32, #tpu.memory_space<hbm>>
      %dma_wait3A_248 = tpu.memref_squeeze %dma_wait3A_247 : memref<1x50x128xf32, #tpu.memory_space<hbm>> -> memref<50x128xf32, #tpu.memory_space<hbm>>
      %dma_wait3A_249 = arith.constant 0 : i32
      %dma_wait3A_250 = arith.constant 0 : i32
      %dma_wait3A_251 = tpu.memref_slice %arg6[%run_scoped3A_144, %dma_wait3A_249, %dma_wait3A_250] : memref<8x50x128xf32, #tpu.memory_space<vmem>> -> memref<1x50x128xf32, #tpu.memory_space<vmem>>
      %dma_wait3A_252 = tpu.memref_squeeze %dma_wait3A_251 : memref<1x50x128xf32, #tpu.memory_space<vmem>> -> memref<50x128xf32, #tpu.memory_space<vmem>>
      tpu.wait_dma2 semaphore(%run_scoped3A_220 : memref<!tpu.dma_semaphore, #tpu.memory_space<semaphore_mem>>) src(%dma_wait3A_252 : memref<50x128xf32, #tpu.memory_space<vmem>>) dst(%dma_wait3A_248 : memref<50x128xf32, #tpu.memory_space<hbm>>)
      tpu.yield
    }) : () -> ()
    %dma_wait3A_145 = arith.constant 3 : i32
    %dma_wait3A_146 = arith.constant 3 : i32
    %dma_wait3A_147 = arith.constant 0 : i32
    %dma_wait3A_148 = arith.constant 0 : i32
    %dma_wait3A_149 = tpu.memref_slice %arg6[%dma_wait3A_146, %dma_wait3A_147, %dma_wait3A_148] : memref<8x50x128xf32, #tpu.memory_space<vmem>> -> memref<1x50x128xf32, #tpu.memory_space<vmem>>
    %dma_wait3A_150 = tpu.memref_squeeze %dma_wait3A_149 : memref<1x50x128xf32, #tpu.memory_space<vmem>> -> memref<50x128xf32, #tpu.memory_space<vmem>>
    %dma_wait3A_151 = arith.constant 0 : i32
    %dma_wait3A_152 = tpu.memref_slice %arg5[%dma_wait3A_145, %dma_wait3A_151] : memref<128x50xi32, #tpu.memory_space<vmem>> -> memref<1x50xi32, #tpu.memory_space<vmem>>
    %dma_wait3A_153 = tpu.memref_squeeze %dma_wait3A_152 : memref<1x50xi32, #tpu.memory_space<vmem>> -> memref<50xi32, #tpu.memory_space<vmem>>
    %dma_wait3A_154 = arith.constant 0 : i32
    %dma_wait3A_155 = arith.constant 0 : i32
    %dma_wait3A_156 = tpu.memref_slice %arg3[%dma_wait3A_154, %dma_wait3A_155] : memref<100001x128xf32, #tpu.memory_space<hbm>> -> memref<100001x128xf32, #tpu.memory_space<hbm>>
    tpu.wait_indirect_dma semaphore(%arg10 : memref<!tpu.dma_semaphore, #tpu.memory_space<semaphore_mem>>) src(%dma_wait3A_156 : memref<100001x128xf32, #tpu.memory_space<hbm>>) dst(%dma_wait3A_150 : memref<50x128xf32, #tpu.memory_space<vmem>>)
    %add3A_157 = arith.constant 123 : i32
    %add3A_158 = arith.addi %mul3A_2, %add3A_157 : i32
    %run_scoped3A_159 = arith.constant 3 : i32
    "tpu.region"() ({
      %run_scoped3A_220 = tpu.sem_alloc : memref<!tpu.dma_semaphore, #tpu.memory_space<semaphore_mem>>
      %dma_start3A_221 = arith.constant 0 : i32
      %dma_start3A_222 = arith.constant 0 : i32
      %dma_start3A_223 = tpu.memref_slice %arg6[%run_scoped3A_159, %dma_start3A_221, %dma_start3A_222] : memref<8x50x128xf32, #tpu.memory_space<vmem>> -> memref<1x50x128xf32, #tpu.memory_space<vmem>>
      %dma_start3A_224 = tpu.memref_squeeze %dma_start3A_223 : memref<1x50x128xf32, #tpu.memory_space<vmem>> -> memref<50x128xf32, #tpu.memory_space<vmem>>
      %dma_start3A_225 = arith.constant 0 : i32
      %dma_start3A_226 = arith.constant 0 : i32
      %dma_start3A_227 = tpu.memref_slice %arg4[%add3A_158, %dma_start3A_225, %dma_start3A_226] : memref<4096x50x128xf32, #tpu.memory_space<hbm>> -> memref<1x50x128xf32, #tpu.memory_space<hbm>>
      %dma_start3A_228 = tpu.memref_squeeze %dma_start3A_227 : memref<1x50x128xf32, #tpu.memory_space<hbm>> -> memref<50x128xf32, #tpu.memory_space<hbm>>
      %dma_start3A_229 = arith.constant 0 : i32
      %dma_start3A_230 = arith.constant 0 : i32
      %dma_start3A_231 = tpu.memref_slice %arg4[%add3A_158, %dma_start3A_229, %dma_start3A_230] : memref<4096x50x128xf32, #tpu.memory_space<hbm>> -> memref<1x50x128xf32, #tpu.memory_space<hbm>>
      %dma_start3A_232 = tpu.memref_squeeze %dma_start3A_231 : memref<1x50x128xf32, #tpu.memory_space<hbm>> -> memref<50x128xf32, #tpu.memory_space<hbm>>
      %dma_start3A_233 = arith.constant 0 : i32
      %dma_start3A_234 = arith.constant 0 : i32
      %dma_start3A_235 = tpu.memref_slice %arg6[%run_scoped3A_159, %dma_start3A_233, %dma_start3A_234] : memref<8x50x128xf32, #tpu.memory_space<vmem>> -> memref<1x50x128xf32, #tpu.memory_space<vmem>>
      %dma_start3A_236 = tpu.memref_squeeze %dma_start3A_235 : memref<1x50x128xf32, #tpu.memory_space<vmem>> -> memref<50x128xf32, #tpu.memory_space<vmem>>
      tpu.enqueue_dma source(%dma_start3A_236 : memref<50x128xf32, #tpu.memory_space<vmem>>) target(%dma_start3A_232 : memref<50x128xf32, #tpu.memory_space<hbm>>) target_semaphore(%run_scoped3A_220 : memref<!tpu.dma_semaphore, #tpu.memory_space<semaphore_mem>>)
      %dma_wait3A_237 = arith.constant 0 : i32
      %dma_wait3A_238 = arith.constant 0 : i32
      %dma_wait3A_239 = tpu.memref_slice %arg6[%run_scoped3A_159, %dma_wait3A_237, %dma_wait3A_238] : memref<8x50x128xf32, #tpu.memory_space<vmem>> -> memref<1x50x128xf32, #tpu.memory_space<vmem>>
      %dma_wait3A_240 = tpu.memref_squeeze %dma_wait3A_239 : memref<1x50x128xf32, #tpu.memory_space<vmem>> -> memref<50x128xf32, #tpu.memory_space<vmem>>
      %dma_wait3A_241 = arith.constant 0 : i32
      %dma_wait3A_242 = arith.constant 0 : i32
      %dma_wait3A_243 = tpu.memref_slice %arg4[%add3A_158, %dma_wait3A_241, %dma_wait3A_242] : memref<4096x50x128xf32, #tpu.memory_space<hbm>> -> memref<1x50x128xf32, #tpu.memory_space<hbm>>
      %dma_wait3A_244 = tpu.memref_squeeze %dma_wait3A_243 : memref<1x50x128xf32, #tpu.memory_space<hbm>> -> memref<50x128xf32, #tpu.memory_space<hbm>>
      %dma_wait3A_245 = arith.constant 0 : i32
      %dma_wait3A_246 = arith.constant 0 : i32
      %dma_wait3A_247 = tpu.memref_slice %arg4[%add3A_158, %dma_wait3A_245, %dma_wait3A_246] : memref<4096x50x128xf32, #tpu.memory_space<hbm>> -> memref<1x50x128xf32, #tpu.memory_space<hbm>>
      %dma_wait3A_248 = tpu.memref_squeeze %dma_wait3A_247 : memref<1x50x128xf32, #tpu.memory_space<hbm>> -> memref<50x128xf32, #tpu.memory_space<hbm>>
      %dma_wait3A_249 = arith.constant 0 : i32
      %dma_wait3A_250 = arith.constant 0 : i32
      %dma_wait3A_251 = tpu.memref_slice %arg6[%run_scoped3A_159, %dma_wait3A_249, %dma_wait3A_250] : memref<8x50x128xf32, #tpu.memory_space<vmem>> -> memref<1x50x128xf32, #tpu.memory_space<vmem>>
      %dma_wait3A_252 = tpu.memref_squeeze %dma_wait3A_251 : memref<1x50x128xf32, #tpu.memory_space<vmem>> -> memref<50x128xf32, #tpu.memory_space<vmem>>
      tpu.wait_dma2 semaphore(%run_scoped3A_220 : memref<!tpu.dma_semaphore, #tpu.memory_space<semaphore_mem>>) src(%dma_wait3A_252 : memref<50x128xf32, #tpu.memory_space<vmem>>) dst(%dma_wait3A_248 : memref<50x128xf32, #tpu.memory_space<hbm>>)
      tpu.yield
    }) : () -> ()
    %dma_wait3A_160 = arith.constant 4 : i32
    %dma_wait3A_161 = arith.constant 4 : i32
    %dma_wait3A_162 = arith.constant 0 : i32
    %dma_wait3A_163 = arith.constant 0 : i32
    %dma_wait3A_164 = tpu.memref_slice %arg6[%dma_wait3A_161, %dma_wait3A_162, %dma_wait3A_163] : memref<8x50x128xf32, #tpu.memory_space<vmem>> -> memref<1x50x128xf32, #tpu.memory_space<vmem>>
    %dma_wait3A_165 = tpu.memref_squeeze %dma_wait3A_164 : memref<1x50x128xf32, #tpu.memory_space<vmem>> -> memref<50x128xf32, #tpu.memory_space<vmem>>
    %dma_wait3A_166 = arith.constant 0 : i32
    %dma_wait3A_167 = tpu.memref_slice %arg5[%dma_wait3A_160, %dma_wait3A_166] : memref<128x50xi32, #tpu.memory_space<vmem>> -> memref<1x50xi32, #tpu.memory_space<vmem>>
    %dma_wait3A_168 = tpu.memref_squeeze %dma_wait3A_167 : memref<1x50xi32, #tpu.memory_space<vmem>> -> memref<50xi32, #tpu.memory_space<vmem>>
    %dma_wait3A_169 = arith.constant 0 : i32
    %dma_wait3A_170 = arith.constant 0 : i32
    %dma_wait3A_171 = tpu.memref_slice %arg3[%dma_wait3A_169, %dma_wait3A_170] : memref<100001x128xf32, #tpu.memory_space<hbm>> -> memref<100001x128xf32, #tpu.memory_space<hbm>>
    tpu.wait_indirect_dma semaphore(%arg11 : memref<!tpu.dma_semaphore, #tpu.memory_space<semaphore_mem>>) src(%dma_wait3A_171 : memref<100001x128xf32, #tpu.memory_space<hbm>>) dst(%dma_wait3A_165 : memref<50x128xf32, #tpu.memory_space<vmem>>)
    %add3A_172 = arith.constant 124 : i32
    %add3A_173 = arith.addi %mul3A_2, %add3A_172 : i32
    %run_scoped3A_174 = arith.constant 4 : i32
    "tpu.region"() ({
      %run_scoped3A_220 = tpu.sem_alloc : memref<!tpu.dma_semaphore, #tpu.memory_space<semaphore_mem>>
      %dma_start3A_221 = arith.constant 0 : i32
      %dma_start3A_222 = arith.constant 0 : i32
      %dma_start3A_223 = tpu.memref_slice %arg6[%run_scoped3A_174, %dma_start3A_221, %dma_start3A_222] : memref<8x50x128xf32, #tpu.memory_space<vmem>> -> memref<1x50x128xf32, #tpu.memory_space<vmem>>
      %dma_start3A_224 = tpu.memref_squeeze %dma_start3A_223 : memref<1x50x128xf32, #tpu.memory_space<vmem>> -> memref<50x128xf32, #tpu.memory_space<vmem>>
      %dma_start3A_225 = arith.constant 0 : i32
      %dma_start3A_226 = arith.constant 0 : i32
      %dma_start3A_227 = tpu.memref_slice %arg4[%add3A_173, %dma_start3A_225, %dma_start3A_226] : memref<4096x50x128xf32, #tpu.memory_space<hbm>> -> memref<1x50x128xf32, #tpu.memory_space<hbm>>
      %dma_start3A_228 = tpu.memref_squeeze %dma_start3A_227 : memref<1x50x128xf32, #tpu.memory_space<hbm>> -> memref<50x128xf32, #tpu.memory_space<hbm>>
      %dma_start3A_229 = arith.constant 0 : i32
      %dma_start3A_230 = arith.constant 0 : i32
      %dma_start3A_231 = tpu.memref_slice %arg4[%add3A_173, %dma_start3A_229, %dma_start3A_230] : memref<4096x50x128xf32, #tpu.memory_space<hbm>> -> memref<1x50x128xf32, #tpu.memory_space<hbm>>
      %dma_start3A_232 = tpu.memref_squeeze %dma_start3A_231 : memref<1x50x128xf32, #tpu.memory_space<hbm>> -> memref<50x128xf32, #tpu.memory_space<hbm>>
      %dma_start3A_233 = arith.constant 0 : i32
      %dma_start3A_234 = arith.constant 0 : i32
      %dma_start3A_235 = tpu.memref_slice %arg6[%run_scoped3A_174, %dma_start3A_233, %dma_start3A_234] : memref<8x50x128xf32, #tpu.memory_space<vmem>> -> memref<1x50x128xf32, #tpu.memory_space<vmem>>
      %dma_start3A_236 = tpu.memref_squeeze %dma_start3A_235 : memref<1x50x128xf32, #tpu.memory_space<vmem>> -> memref<50x128xf32, #tpu.memory_space<vmem>>
      tpu.enqueue_dma source(%dma_start3A_236 : memref<50x128xf32, #tpu.memory_space<vmem>>) target(%dma_start3A_232 : memref<50x128xf32, #tpu.memory_space<hbm>>) target_semaphore(%run_scoped3A_220 : memref<!tpu.dma_semaphore, #tpu.memory_space<semaphore_mem>>)
      %dma_wait3A_237 = arith.constant 0 : i32
      %dma_wait3A_238 = arith.constant 0 : i32
      %dma_wait3A_239 = tpu.memref_slice %arg6[%run_scoped3A_174, %dma_wait3A_237, %dma_wait3A_238] : memref<8x50x128xf32, #tpu.memory_space<vmem>> -> memref<1x50x128xf32, #tpu.memory_space<vmem>>
      %dma_wait3A_240 = tpu.memref_squeeze %dma_wait3A_239 : memref<1x50x128xf32, #tpu.memory_space<vmem>> -> memref<50x128xf32, #tpu.memory_space<vmem>>
      %dma_wait3A_241 = arith.constant 0 : i32
      %dma_wait3A_242 = arith.constant 0 : i32
      %dma_wait3A_243 = tpu.memref_slice %arg4[%add3A_173, %dma_wait3A_241, %dma_wait3A_242] : memref<4096x50x128xf32, #tpu.memory_space<hbm>> -> memref<1x50x128xf32, #tpu.memory_space<hbm>>
      %dma_wait3A_244 = tpu.memref_squeeze %dma_wait3A_243 : memref<1x50x128xf32, #tpu.memory_space<hbm>> -> memref<50x128xf32, #tpu.memory_space<hbm>>
      %dma_wait3A_245 = arith.constant 0 : i32
      %dma_wait3A_246 = arith.constant 0 : i32
      %dma_wait3A_247 = tpu.memref_slice %arg4[%add3A_173, %dma_wait3A_245, %dma_wait3A_246] : memref<4096x50x128xf32, #tpu.memory_space<hbm>> -> memref<1x50x128xf32, #tpu.memory_space<hbm>>
      %dma_wait3A_248 = tpu.memref_squeeze %dma_wait3A_247 : memref<1x50x128xf32, #tpu.memory_space<hbm>> -> memref<50x128xf32, #tpu.memory_space<hbm>>
      %dma_wait3A_249 = arith.constant 0 : i32
      %dma_wait3A_250 = arith.constant 0 : i32
      %dma_wait3A_251 = tpu.memref_slice %arg6[%run_scoped3A_174, %dma_wait3A_249, %dma_wait3A_250] : memref<8x50x128xf32, #tpu.memory_space<vmem>> -> memref<1x50x128xf32, #tpu.memory_space<vmem>>
      %dma_wait3A_252 = tpu.memref_squeeze %dma_wait3A_251 : memref<1x50x128xf32, #tpu.memory_space<vmem>> -> memref<50x128xf32, #tpu.memory_space<vmem>>
      tpu.wait_dma2 semaphore(%run_scoped3A_220 : memref<!tpu.dma_semaphore, #tpu.memory_space<semaphore_mem>>) src(%dma_wait3A_252 : memref<50x128xf32, #tpu.memory_space<vmem>>) dst(%dma_wait3A_248 : memref<50x128xf32, #tpu.memory_space<hbm>>)
      tpu.yield
    }) : () -> ()
    %dma_wait3A_175 = arith.constant 5 : i32
    %dma_wait3A_176 = arith.constant 5 : i32
    %dma_wait3A_177 = arith.constant 0 : i32
    %dma_wait3A_178 = arith.constant 0 : i32
    %dma_wait3A_179 = tpu.memref_slice %arg6[%dma_wait3A_176, %dma_wait3A_177, %dma_wait3A_178] : memref<8x50x128xf32, #tpu.memory_space<vmem>> -> memref<1x50x128xf32, #tpu.memory_space<vmem>>
    %dma_wait3A_180 = tpu.memref_squeeze %dma_wait3A_179 : memref<1x50x128xf32, #tpu.memory_space<vmem>> -> memref<50x128xf32, #tpu.memory_space<vmem>>
    %dma_wait3A_181 = arith.constant 0 : i32
    %dma_wait3A_182 = tpu.memref_slice %arg5[%dma_wait3A_175, %dma_wait3A_181] : memref<128x50xi32, #tpu.memory_space<vmem>> -> memref<1x50xi32, #tpu.memory_space<vmem>>
    %dma_wait3A_183 = tpu.memref_squeeze %dma_wait3A_182 : memref<1x50xi32, #tpu.memory_space<vmem>> -> memref<50xi32, #tpu.memory_space<vmem>>
    %dma_wait3A_184 = arith.constant 0 : i32
    %dma_wait3A_185 = arith.constant 0 : i32
    %dma_wait3A_186 = tpu.memref_slice %arg3[%dma_wait3A_184, %dma_wait3A_185] : memref<100001x128xf32, #tpu.memory_space<hbm>> -> memref<100001x128xf32, #tpu.memory_space<hbm>>
    tpu.wait_indirect_dma semaphore(%arg12 : memref<!tpu.dma_semaphore, #tpu.memory_space<semaphore_mem>>) src(%dma_wait3A_186 : memref<100001x128xf32, #tpu.memory_space<hbm>>) dst(%dma_wait3A_180 : memref<50x128xf32, #tpu.memory_space<vmem>>)
    %add3A_187 = arith.constant 125 : i32
    %add3A_188 = arith.addi %mul3A_2, %add3A_187 : i32
    %run_scoped3A_189 = arith.constant 5 : i32
    "tpu.region"() ({
      %run_scoped3A_220 = tpu.sem_alloc : memref<!tpu.dma_semaphore, #tpu.memory_space<semaphore_mem>>
      %dma_start3A_221 = arith.constant 0 : i32
      %dma_start3A_222 = arith.constant 0 : i32
      %dma_start3A_223 = tpu.memref_slice %arg6[%run_scoped3A_189, %dma_start3A_221, %dma_start3A_222] : memref<8x50x128xf32, #tpu.memory_space<vmem>> -> memref<1x50x128xf32, #tpu.memory_space<vmem>>
      %dma_start3A_224 = tpu.memref_squeeze %dma_start3A_223 : memref<1x50x128xf32, #tpu.memory_space<vmem>> -> memref<50x128xf32, #tpu.memory_space<vmem>>
      %dma_start3A_225 = arith.constant 0 : i32
      %dma_start3A_226 = arith.constant 0 : i32
      %dma_start3A_227 = tpu.memref_slice %arg4[%add3A_188, %dma_start3A_225, %dma_start3A_226] : memref<4096x50x128xf32, #tpu.memory_space<hbm>> -> memref<1x50x128xf32, #tpu.memory_space<hbm>>
      %dma_start3A_228 = tpu.memref_squeeze %dma_start3A_227 : memref<1x50x128xf32, #tpu.memory_space<hbm>> -> memref<50x128xf32, #tpu.memory_space<hbm>>
      %dma_start3A_229 = arith.constant 0 : i32
      %dma_start3A_230 = arith.constant 0 : i32
      %dma_start3A_231 = tpu.memref_slice %arg4[%add3A_188, %dma_start3A_229, %dma_start3A_230] : memref<4096x50x128xf32, #tpu.memory_space<hbm>> -> memref<1x50x128xf32, #tpu.memory_space<hbm>>
      %dma_start3A_232 = tpu.memref_squeeze %dma_start3A_231 : memref<1x50x128xf32, #tpu.memory_space<hbm>> -> memref<50x128xf32, #tpu.memory_space<hbm>>
      %dma_start3A_233 = arith.constant 0 : i32
      %dma_start3A_234 = arith.constant 0 : i32
      %dma_start3A_235 = tpu.memref_slice %arg6[%run_scoped3A_189, %dma_start3A_233, %dma_start3A_234] : memref<8x50x128xf32, #tpu.memory_space<vmem>> -> memref<1x50x128xf32, #tpu.memory_space<vmem>>
      %dma_start3A_236 = tpu.memref_squeeze %dma_start3A_235 : memref<1x50x128xf32, #tpu.memory_space<vmem>> -> memref<50x128xf32, #tpu.memory_space<vmem>>
      tpu.enqueue_dma source(%dma_start3A_236 : memref<50x128xf32, #tpu.memory_space<vmem>>) target(%dma_start3A_232 : memref<50x128xf32, #tpu.memory_space<hbm>>) target_semaphore(%run_scoped3A_220 : memref<!tpu.dma_semaphore, #tpu.memory_space<semaphore_mem>>)
      %dma_wait3A_237 = arith.constant 0 : i32
      %dma_wait3A_238 = arith.constant 0 : i32
      %dma_wait3A_239 = tpu.memref_slice %arg6[%run_scoped3A_189, %dma_wait3A_237, %dma_wait3A_238] : memref<8x50x128xf32, #tpu.memory_space<vmem>> -> memref<1x50x128xf32, #tpu.memory_space<vmem>>
      %dma_wait3A_240 = tpu.memref_squeeze %dma_wait3A_239 : memref<1x50x128xf32, #tpu.memory_space<vmem>> -> memref<50x128xf32, #tpu.memory_space<vmem>>
      %dma_wait3A_241 = arith.constant 0 : i32
      %dma_wait3A_242 = arith.constant 0 : i32
      %dma_wait3A_243 = tpu.memref_slice %arg4[%add3A_188, %dma_wait3A_241, %dma_wait3A_242] : memref<4096x50x128xf32, #tpu.memory_space<hbm>> -> memref<1x50x128xf32, #tpu.memory_space<hbm>>
      %dma_wait3A_244 = tpu.memref_squeeze %dma_wait3A_243 : memref<1x50x128xf32, #tpu.memory_space<hbm>> -> memref<50x128xf32, #tpu.memory_space<hbm>>
      %dma_wait3A_245 = arith.constant 0 : i32
      %dma_wait3A_246 = arith.constant 0 : i32
      %dma_wait3A_247 = tpu.memref_slice %arg4[%add3A_188, %dma_wait3A_245, %dma_wait3A_246] : memref<4096x50x128xf32, #tpu.memory_space<hbm>> -> memref<1x50x128xf32, #tpu.memory_space<hbm>>
      %dma_wait3A_248 = tpu.memref_squeeze %dma_wait3A_247 : memref<1x50x128xf32, #tpu.memory_space<hbm>> -> memref<50x128xf32, #tpu.memory_space<hbm>>
      %dma_wait3A_249 = arith.constant 0 : i32
      %dma_wait3A_250 = arith.constant 0 : i32
      %dma_wait3A_251 = tpu.memref_slice %arg6[%run_scoped3A_189, %dma_wait3A_249, %dma_wait3A_250] : memref<8x50x128xf32, #tpu.memory_space<vmem>> -> memref<1x50x128xf32, #tpu.memory_space<vmem>>
      %dma_wait3A_252 = tpu.memref_squeeze %dma_wait3A_251 : memref<1x50x128xf32, #tpu.memory_space<vmem>> -> memref<50x128xf32, #tpu.memory_space<vmem>>
      tpu.wait_dma2 semaphore(%run_scoped3A_220 : memref<!tpu.dma_semaphore, #tpu.memory_space<semaphore_mem>>) src(%dma_wait3A_252 : memref<50x128xf32, #tpu.memory_space<vmem>>) dst(%dma_wait3A_248 : memref<50x128xf32, #tpu.memory_space<hbm>>)
      tpu.yield
    }) : () -> ()
    %dma_wait3A_190 = arith.constant 6 : i32
    %dma_wait3A_191 = arith.constant 6 : i32
    %dma_wait3A_192 = arith.constant 0 : i32
    %dma_wait3A_193 = arith.constant 0 : i32
    %dma_wait3A_194 = tpu.memref_slice %arg6[%dma_wait3A_191, %dma_wait3A_192, %dma_wait3A_193] : memref<8x50x128xf32, #tpu.memory_space<vmem>> -> memref<1x50x128xf32, #tpu.memory_space<vmem>>
    %dma_wait3A_195 = tpu.memref_squeeze %dma_wait3A_194 : memref<1x50x128xf32, #tpu.memory_space<vmem>> -> memref<50x128xf32, #tpu.memory_space<vmem>>
    %dma_wait3A_196 = arith.constant 0 : i32
    %dma_wait3A_197 = tpu.memref_slice %arg5[%dma_wait3A_190, %dma_wait3A_196] : memref<128x50xi32, #tpu.memory_space<vmem>> -> memref<1x50xi32, #tpu.memory_space<vmem>>
    %dma_wait3A_198 = tpu.memref_squeeze %dma_wait3A_197 : memref<1x50xi32, #tpu.memory_space<vmem>> -> memref<50xi32, #tpu.memory_space<vmem>>
    %dma_wait3A_199 = arith.constant 0 : i32
    %dma_wait3A_200 = arith.constant 0 : i32
    %dma_wait3A_201 = tpu.memref_slice %arg3[%dma_wait3A_199, %dma_wait3A_200] : memref<100001x128xf32, #tpu.memory_space<hbm>> -> memref<100001x128xf32, #tpu.memory_space<hbm>>
    tpu.wait_indirect_dma semaphore(%arg13 : memref<!tpu.dma_semaphore, #tpu.memory_space<semaphore_mem>>) src(%dma_wait3A_201 : memref<100001x128xf32, #tpu.memory_space<hbm>>) dst(%dma_wait3A_195 : memref<50x128xf32, #tpu.memory_space<vmem>>)
    %add3A_202 = arith.constant 126 : i32
    %add3A_203 = arith.addi %mul3A_2, %add3A_202 : i32
    %run_scoped3A_204 = arith.constant 6 : i32
    "tpu.region"() ({
      %run_scoped3A_220 = tpu.sem_alloc : memref<!tpu.dma_semaphore, #tpu.memory_space<semaphore_mem>>
      %dma_start3A_221 = arith.constant 0 : i32
      %dma_start3A_222 = arith.constant 0 : i32
      %dma_start3A_223 = tpu.memref_slice %arg6[%run_scoped3A_204, %dma_start3A_221, %dma_start3A_222] : memref<8x50x128xf32, #tpu.memory_space<vmem>> -> memref<1x50x128xf32, #tpu.memory_space<vmem>>
      %dma_start3A_224 = tpu.memref_squeeze %dma_start3A_223 : memref<1x50x128xf32, #tpu.memory_space<vmem>> -> memref<50x128xf32, #tpu.memory_space<vmem>>
      %dma_start3A_225 = arith.constant 0 : i32
      %dma_start3A_226 = arith.constant 0 : i32
      %dma_start3A_227 = tpu.memref_slice %arg4[%add3A_203, %dma_start3A_225, %dma_start3A_226] : memref<4096x50x128xf32, #tpu.memory_space<hbm>> -> memref<1x50x128xf32, #tpu.memory_space<hbm>>
      %dma_start3A_228 = tpu.memref_squeeze %dma_start3A_227 : memref<1x50x128xf32, #tpu.memory_space<hbm>> -> memref<50x128xf32, #tpu.memory_space<hbm>>
      %dma_start3A_229 = arith.constant 0 : i32
      %dma_start3A_230 = arith.constant 0 : i32
      %dma_start3A_231 = tpu.memref_slice %arg4[%add3A_203, %dma_start3A_229, %dma_start3A_230] : memref<4096x50x128xf32, #tpu.memory_space<hbm>> -> memref<1x50x128xf32, #tpu.memory_space<hbm>>
      %dma_start3A_232 = tpu.memref_squeeze %dma_start3A_231 : memref<1x50x128xf32, #tpu.memory_space<hbm>> -> memref<50x128xf32, #tpu.memory_space<hbm>>
      %dma_start3A_233 = arith.constant 0 : i32
      %dma_start3A_234 = arith.constant 0 : i32
      %dma_start3A_235 = tpu.memref_slice %arg6[%run_scoped3A_204, %dma_start3A_233, %dma_start3A_234] : memref<8x50x128xf32, #tpu.memory_space<vmem>> -> memref<1x50x128xf32, #tpu.memory_space<vmem>>
      %dma_start3A_236 = tpu.memref_squeeze %dma_start3A_235 : memref<1x50x128xf32, #tpu.memory_space<vmem>> -> memref<50x128xf32, #tpu.memory_space<vmem>>
      tpu.enqueue_dma source(%dma_start3A_236 : memref<50x128xf32, #tpu.memory_space<vmem>>) target(%dma_start3A_232 : memref<50x128xf32, #tpu.memory_space<hbm>>) target_semaphore(%run_scoped3A_220 : memref<!tpu.dma_semaphore, #tpu.memory_space<semaphore_mem>>)
      %dma_wait3A_237 = arith.constant 0 : i32
      %dma_wait3A_238 = arith.constant 0 : i32
      %dma_wait3A_239 = tpu.memref_slice %arg6[%run_scoped3A_204, %dma_wait3A_237, %dma_wait3A_238] : memref<8x50x128xf32, #tpu.memory_space<vmem>> -> memref<1x50x128xf32, #tpu.memory_space<vmem>>
      %dma_wait3A_240 = tpu.memref_squeeze %dma_wait3A_239 : memref<1x50x128xf32, #tpu.memory_space<vmem>> -> memref<50x128xf32, #tpu.memory_space<vmem>>
      %dma_wait3A_241 = arith.constant 0 : i32
      %dma_wait3A_242 = arith.constant 0 : i32
      %dma_wait3A_243 = tpu.memref_slice %arg4[%add3A_203, %dma_wait3A_241, %dma_wait3A_242] : memref<4096x50x128xf32, #tpu.memory_space<hbm>> -> memref<1x50x128xf32, #tpu.memory_space<hbm>>
      %dma_wait3A_244 = tpu.memref_squeeze %dma_wait3A_243 : memref<1x50x128xf32, #tpu.memory_space<hbm>> -> memref<50x128xf32, #tpu.memory_space<hbm>>
      %dma_wait3A_245 = arith.constant 0 : i32
      %dma_wait3A_246 = arith.constant 0 : i32
      %dma_wait3A_247 = tpu.memref_slice %arg4[%add3A_203, %dma_wait3A_245, %dma_wait3A_246] : memref<4096x50x128xf32, #tpu.memory_space<hbm>> -> memref<1x50x128xf32, #tpu.memory_space<hbm>>
      %dma_wait3A_248 = tpu.memref_squeeze %dma_wait3A_247 : memref<1x50x128xf32, #tpu.memory_space<hbm>> -> memref<50x128xf32, #tpu.memory_space<hbm>>
      %dma_wait3A_249 = arith.constant 0 : i32
      %dma_wait3A_250 = arith.constant 0 : i32
      %dma_wait3A_251 = tpu.memref_slice %arg6[%run_scoped3A_204, %dma_wait3A_249, %dma_wait3A_250] : memref<8x50x128xf32, #tpu.memory_space<vmem>> -> memref<1x50x128xf32, #tpu.memory_space<vmem>>
      %dma_wait3A_252 = tpu.memref_squeeze %dma_wait3A_251 : memref<1x50x128xf32, #tpu.memory_space<vmem>> -> memref<50x128xf32, #tpu.memory_space<vmem>>
      tpu.wait_dma2 semaphore(%run_scoped3A_220 : memref<!tpu.dma_semaphore, #tpu.memory_space<semaphore_mem>>) src(%dma_wait3A_252 : memref<50x128xf32, #tpu.memory_space<vmem>>) dst(%dma_wait3A_248 : memref<50x128xf32, #tpu.memory_space<hbm>>)
      tpu.yield
    }) : () -> ()
    %dma_wait3A_205 = arith.constant 7 : i32
    %dma_wait3A_206 = arith.constant 7 : i32
    %dma_wait3A_207 = arith.constant 0 : i32
    %dma_wait3A_208 = arith.constant 0 : i32
    %dma_wait3A_209 = tpu.memref_slice %arg6[%dma_wait3A_206, %dma_wait3A_207, %dma_wait3A_208] : memref<8x50x128xf32, #tpu.memory_space<vmem>> -> memref<1x50x128xf32, #tpu.memory_space<vmem>>
    %dma_wait3A_210 = tpu.memref_squeeze %dma_wait3A_209 : memref<1x50x128xf32, #tpu.memory_space<vmem>> -> memref<50x128xf32, #tpu.memory_space<vmem>>
    %dma_wait3A_211 = arith.constant 0 : i32
    %dma_wait3A_212 = tpu.memref_slice %arg5[%dma_wait3A_205, %dma_wait3A_211] : memref<128x50xi32, #tpu.memory_space<vmem>> -> memref<1x50xi32, #tpu.memory_space<vmem>>
    %dma_wait3A_213 = tpu.memref_squeeze %dma_wait3A_212 : memref<1x50xi32, #tpu.memory_space<vmem>> -> memref<50xi32, #tpu.memory_space<vmem>>
    %dma_wait3A_214 = arith.constant 0 : i32
    %dma_wait3A_215 = arith.constant 0 : i32
    %dma_wait3A_216 = tpu.memref_slice %arg3[%dma_wait3A_214, %dma_wait3A_215] : memref<100001x128xf32, #tpu.memory_space<hbm>> -> memref<100001x128xf32, #tpu.memory_space<hbm>>
    tpu.wait_indirect_dma semaphore(%arg14 : memref<!tpu.dma_semaphore, #tpu.memory_space<semaphore_mem>>) src(%dma_wait3A_216 : memref<100001x128xf32, #tpu.memory_space<hbm>>) dst(%dma_wait3A_210 : memref<50x128xf32, #tpu.memory_space<vmem>>)
    %add3A_217 = arith.constant 127 : i32
    %add3A_218 = arith.addi %mul3A_2, %add3A_217 : i32
    %run_scoped3A_219 = arith.constant 7 : i32
    "tpu.region"() ({
      %run_scoped3A_220 = tpu.sem_alloc : memref<!tpu.dma_semaphore, #tpu.memory_space<semaphore_mem>>
      %dma_start3A_221 = arith.constant 0 : i32
      %dma_start3A_222 = arith.constant 0 : i32
      %dma_start3A_223 = tpu.memref_slice %arg6[%run_scoped3A_219, %dma_start3A_221, %dma_start3A_222] : memref<8x50x128xf32, #tpu.memory_space<vmem>> -> memref<1x50x128xf32, #tpu.memory_space<vmem>>
      %dma_start3A_224 = tpu.memref_squeeze %dma_start3A_223 : memref<1x50x128xf32, #tpu.memory_space<vmem>> -> memref<50x128xf32, #tpu.memory_space<vmem>>
      %dma_start3A_225 = arith.constant 0 : i32
      %dma_start3A_226 = arith.constant 0 : i32
      %dma_start3A_227 = tpu.memref_slice %arg4[%add3A_218, %dma_start3A_225, %dma_start3A_226] : memref<4096x50x128xf32, #tpu.memory_space<hbm>> -> memref<1x50x128xf32, #tpu.memory_space<hbm>>
      %dma_start3A_228 = tpu.memref_squeeze %dma_start3A_227 : memref<1x50x128xf32, #tpu.memory_space<hbm>> -> memref<50x128xf32, #tpu.memory_space<hbm>>
      %dma_start3A_229 = arith.constant 0 : i32
      %dma_start3A_230 = arith.constant 0 : i32
      %dma_start3A_231 = tpu.memref_slice %arg4[%add3A_218, %dma_start3A_229, %dma_start3A_230] : memref<4096x50x128xf32, #tpu.memory_space<hbm>> -> memref<1x50x128xf32, #tpu.memory_space<hbm>>
      %dma_start3A_232 = tpu.memref_squeeze %dma_start3A_231 : memref<1x50x128xf32, #tpu.memory_space<hbm>> -> memref<50x128xf32, #tpu.memory_space<hbm>>
      %dma_start3A_233 = arith.constant 0 : i32
      %dma_start3A_234 = arith.constant 0 : i32
      %dma_start3A_235 = tpu.memref_slice %arg6[%run_scoped3A_219, %dma_start3A_233, %dma_start3A_234] : memref<8x50x128xf32, #tpu.memory_space<vmem>> -> memref<1x50x128xf32, #tpu.memory_space<vmem>>
      %dma_start3A_236 = tpu.memref_squeeze %dma_start3A_235 : memref<1x50x128xf32, #tpu.memory_space<vmem>> -> memref<50x128xf32, #tpu.memory_space<vmem>>
      tpu.enqueue_dma source(%dma_start3A_236 : memref<50x128xf32, #tpu.memory_space<vmem>>) target(%dma_start3A_232 : memref<50x128xf32, #tpu.memory_space<hbm>>) target_semaphore(%run_scoped3A_220 : memref<!tpu.dma_semaphore, #tpu.memory_space<semaphore_mem>>)
      %dma_wait3A_237 = arith.constant 0 : i32
      %dma_wait3A_238 = arith.constant 0 : i32
      %dma_wait3A_239 = tpu.memref_slice %arg6[%run_scoped3A_219, %dma_wait3A_237, %dma_wait3A_238] : memref<8x50x128xf32, #tpu.memory_space<vmem>> -> memref<1x50x128xf32, #tpu.memory_space<vmem>>
      %dma_wait3A_240 = tpu.memref_squeeze %dma_wait3A_239 : memref<1x50x128xf32, #tpu.memory_space<vmem>> -> memref<50x128xf32, #tpu.memory_space<vmem>>
      %dma_wait3A_241 = arith.constant 0 : i32
      %dma_wait3A_242 = arith.constant 0 : i32
      %dma_wait3A_243 = tpu.memref_slice %arg4[%add3A_218, %dma_wait3A_241, %dma_wait3A_242] : memref<4096x50x128xf32, #tpu.memory_space<hbm>> -> memref<1x50x128xf32, #tpu.memory_space<hbm>>
      %dma_wait3A_244 = tpu.memref_squeeze %dma_wait3A_243 : memref<1x50x128xf32, #tpu.memory_space<hbm>> -> memref<50x128xf32, #tpu.memory_space<hbm>>
      %dma_wait3A_245 = arith.constant 0 : i32
      %dma_wait3A_246 = arith.constant 0 : i32
      %dma_wait3A_247 = tpu.memref_slice %arg4[%add3A_218, %dma_wait3A_245, %dma_wait3A_246] : memref<4096x50x128xf32, #tpu.memory_space<hbm>> -> memref<1x50x128xf32, #tpu.memory_space<hbm>>
      %dma_wait3A_248 = tpu.memref_squeeze %dma_wait3A_247 : memref<1x50x128xf32, #tpu.memory_space<hbm>> -> memref<50x128xf32, #tpu.memory_space<hbm>>
      %dma_wait3A_249 = arith.constant 0 : i32
      %dma_wait3A_250 = arith.constant 0 : i32
      %dma_wait3A_251 = tpu.memref_slice %arg6[%run_scoped3A_219, %dma_wait3A_249, %dma_wait3A_250] : memref<8x50x128xf32, #tpu.memory_space<vmem>> -> memref<1x50x128xf32, #tpu.memory_space<vmem>>
      %dma_wait3A_252 = tpu.memref_squeeze %dma_wait3A_251 : memref<1x50x128xf32, #tpu.memory_space<vmem>> -> memref<50x128xf32, #tpu.memory_space<vmem>>
      tpu.wait_dma2 semaphore(%run_scoped3A_220 : memref<!tpu.dma_semaphore, #tpu.memory_space<semaphore_mem>>) src(%dma_wait3A_252 : memref<50x128xf32, #tpu.memory_space<vmem>>) dst(%dma_wait3A_248 : memref<50x128xf32, #tpu.memory_space<hbm>>)
      tpu.yield
    }) : () -> ()
    return
  }
}

</mosaic_0001>

<sc_bundles>
// kernel: kernel.3.cloned.1.call-start
scs
__scs_entry_jumppad:
0x0: {  	(pc) =	sbr.rel $0x88, $3  }
0x1: {  	(tag) =	ssettag $0x0;
	lr =	simm.s32 $0x1  }
0x2: {  	[smem:$0x3F9F] =	sst lr;
	_ =	strace $0xD0000000  }
0x3: {  	_ = 	snop  }
0x4: {  	_ = 	snop  }
0x5: {  	_ = 	snop  }
0x6: {  	_ = 	snop  }
0x7: {  	_ = 	snop  }
__scs_overlays_trampoline_lowered:
0x8: {  	[smem:$0x3FAE] =	sst s0  }
0x9: {  	[smem:$0x3FAF] =	sst s1  }
0xa: {  	[smem:$0x3FB0] =	sst s2  }
0xb: {  	[smem:$0x3FB1] =	sst s3  }
0xc: {  	[smem:$0x3FB2] =	sst s4  }
0xd: {  	[smem:$0x3FB3] =	sst s5  }
0xe: {  	[smem:$0x3FB4] =	sst s6  }
0xf: {  	[smem:$0x3FB5] =	sst s7  }
0x10: {  	[smem:$0x3FB6] =	sst s8  }
0x11: {  	[smem:$0x3FB7] =	sst s9;
	s0 =	simm.s32 @!p0 $0x0  }
0x12: {  	s1 =	sld [smem:$0x3F9D];
	s0 =	simm.s32 @p0 $0x1  }
0x13: {  	[smem:$0x3FB8] =	sst s0;
	s0 =	simm.s32 @!p1 $0x0  }
0x14: {  	s2 =	sld [smem:$0x3F9C];
	s0 =	simm.s32 @p1 $0x1  }
0x15: {  	[smem:$0x3FB9] =	sst s0;
	s0 =	simm.s32 @!p2 $0x0  }
0x16: {  	s3 =	sld [smem:$0x3FDB];
	s0 =	simm.s32 @p2 $0x1  }
0x17: {  	s4 =	simm.s32 $0x1BF5;
	[smem:$0x3FBB] =	sst s0  }
0x18: {  	s0 =	sld [smem:$0x3F9E];
	_ =	swait.ge [sflag:s4], $0x0  }
0x19: {  	s7 =	sld [smem:$0x3F9F]  }
0x1a: {  	s8 =	sadd.s32 $0xFFFFE003, lr  }
0x1b: {  	s9 =	sadd.s32 $0xFFFFFEF7, lr;
	s5 =	simm.s32 $0xFFFFFFFF;
	p2 =	slt.u32 s8, $0xFFFFF086  }
0x1c: {  	p1 =	slt.u32 s9, $0xF7A;
	s5 =	simm.s32 @!p2 $0x0  }
0x1d: {  	s5 =	simm.s32 @p1 $0x1;
	p0 =	seq.s32 s7, s2  }
0x1e: {  	s7 =	smul.u32 @!p0 $0xF7A, s2;
	p2 =	seq.s32 @!p0 s5, $0x0  }
0x1f: {  	s9 =	smul.u32 $0xF7A, s1;
	s8 =	simm.s32 @!p0 $0x1BF5;
	p2 =	por !p2, p0  }
0x20: {  	[sflag:s8] =	ssyncset.s32 @!p0 $0xFFFFF086;
	s6 =	sadd.s32 @!p0 s3, s7;
	s7 =	simm.s32 @!p0 $0x108  }
0x21: {  	s3 =	sadd.s32 s3, s9;
	s6 =	sadd.s32 @!p0 $0x88, s6;
	s7 =	simm.s32 @p2 $0x1082  }
0x22: {  	[simem:s7], [sflag:s8] =	dma.local @!p0 [hbm:s6], $0xF7A  }
0x23: {  	s9 =	sor.u32 $0xD0000000, s2;
	s6 =	simm.s32 $0x108;
	_ =	swait.ge @!p0 [sflag:s8], $0x0  }
0x24: {  	s3 =	sadd.s32 $0x88, s3;
	s6 =	simm.s32 @!p1 $0x1082;
	[sflag:s4] =	ssyncset.s32 $0xFFFFF086  }
0x25: {  	[simem:s6], [sflag:s4] =	dma.local [hbm:s3], $0xF7A  }
0x26: {  	[smem:$0x3F9F] =	sst s1;
	(tag) =	ssettag s2;
	_ =	strace s9  }
0x27: {  	s1 =	sld [smem:$0x3FAF]  }
0x28: {  	s2 =	sld [smem:$0x3FB0]  }
0x29: {  	s4 =	sld [smem:$0x3FB2]  }
0x2a: {  	p0 =	seq.s32 s5, $0x0;
	s5 =	sld [smem:$0x3FB3]  }
0x2b: {  	s6 =	sld [smem:$0x3FB4]  }
0x2c: {  	s7 =	sld [smem:$0x3FB5]  }
0x2d: {  	s3 =	simm.s32 $0x108;
	s8 =	sld [smem:$0x3FB6]  }
0x2e: {  	s3 =	simm.s32 @!p0 $0x1082;
	s9 =	sld [smem:$0x3FB7]  }
0x2f: {  	lr =	sadd.s32 s0, s3;
	s0 =	sld [smem:$0x3FAE]  }
0x30: {  	s3 =	sld [smem:$0x3FB1]  }
0x31: {  	[smem:$0x3FBA] =	sst s10  }
0x32: {  	s10 =	sld [smem:$0x3FB8];
	_ =	sdelay $0x3  }
0x33: {  	p0 =	seq.s32 s10, $0x1;
	s10 =	sld [smem:$0x3FBA];
	_ =	sdelay $0x3  }
0x34: {  	[smem:$0x3FBA] =	sst s10  }
0x35: {  	s10 =	sld [smem:$0x3FB9];
	_ =	sdelay $0x3  }
0x36: {  	p1 =	seq.s32 s10, $0x1;
	s10 =	sld [smem:$0x3FBA];
	_ =	sdelay $0x3  }
0x37: {  	[smem:$0x3FBA] =	sst s10  }
0x38: {  	s10 =	sld [smem:$0x3FBB]  }
0x39: {  	_ = 	snop;
	(pc) =	sbr.ind lr, $3  }
0x3a: {  	_ = 	snop  }
0x3b: {  	_ = 	snop  }
0x3c: {  	p2 =	seq.s32 s10, $0x1;
	s10 =	sld [smem:$0x3FBA]  }
0x3d: {  	_ =	shalt  }
0x3e: {  	_ =	shalt  }
0x3f: {  	_ =	shalt  }
0x40: {  	_ =	shalt  }
0x41: {  	_ =	shalt  }
0x42: {  	_ =	shalt  }
0x43: {  	_ =	shalt  }
0x44: {  	_ =	shalt  }
0x45: {  	_ =	shalt  }
0x46: {  	_ =	shalt  }
0x47: {  	_ =	shalt  }
0x48: {  	_ =	shalt  }
0x49: {  	_ =	shalt  }
0x4a: {  	_ =	shalt  }
0x4b: {  	_ =	shalt  }
0x4c: {  	_ =	shalt  }
0x4d: {  	_ =	shalt  }
0x4e: {  	_ =	shalt  }
0x4f: {  	_ =	shalt  }
0x50: {  	_ =	shalt  }
0x51: {  	_ =	shalt  }
0x52: {  	_ =	shalt  }
0x53: {  	_ =	shalt  }
0x54: {  	_ =	shalt  }
0x55: {  	_ =	shalt  }
0x56: {  	_ =	shalt  }
0x57: {  	_ =	shalt  }
0x58: {  	_ =	shalt  }
0x59: {  	_ =	shalt  }
0x5a: {  	_ =	shalt  }
0x5b: {  	_ =	shalt  }
0x5c: {  	_ =	shalt  }
0x5d: {  	_ =	shalt  }
0x5e: {  	_ =	shalt  }
0x5f: {  	_ =	shalt  }
0x60: {  	_ =	shalt  }
0x61: {  	_ =	shalt  }
0x62: {  	_ =	shalt  }
0x63: {  	_ =	shalt  }
0x64: {  	_ =	shalt  }
0x65: {  	_ =	shalt  }
0x66: {  	_ =	shalt  }
0x67: {  	_ =	shalt  }
0x68: {  	_ =	shalt  }
0x69: {  	_ =	shalt  }
0x6a: {  	_ =	shalt  }
0x6b: {  	_ =	shalt  }
0x6c: {  	_ =	shalt  }
0x6d: {  	_ =	shalt  }
0x6e: {  	_ =	shalt  }
0x6f: {  	_ =	shalt  }
0x70: {  	_ =	shalt  }
0x71: {  	_ =	shalt  }
0x72: {  	_ =	shalt  }
0x73: {  	_ =	shalt  }
0x74: {  	_ =	shalt  }
0x75: {  	_ =	shalt  }
0x76: {  	_ =	shalt  }
0x77: {  	_ =	shalt  }
0x78: {  	_ =	shalt  }
0x79: {  	_ =	shalt  }
0x7a: {  	_ =	shalt  }
0x7b: {  	_ =	shalt  }
0x7c: {  	_ =	shalt  }
0x7d: {  	_ =	shalt  }
0x7e: {  	_ =	shalt  }
0x7f: {  	_ =	shalt  }
0x80: {  	_ =	shalt  }
0x81: {  	_ =	shalt  }
0x82: {  	_ =	shalt  }
0x83: {  	_ =	shalt  }
0x84: {  	_ =	shalt  }
0x85: {  	_ =	shalt  }
0x86: {  	_ =	shalt  }
0x87: {  	_ =	shalt  }
.Lfunc_end0:
.L_simem_size_0:
called_computation_lowered:
.L_overlay_start_0:
0x88: {  	s2 =	sld [smem:$0x3FD9]  }
0x89: {  	s3 =	sld [smem:$0x3FFE];
	_ =	sdelay $0x1  }
0x8a: {  	s1 =	srdreg.scid  }
0x8b: {  	s0 =	sand.u32 $0x1, s1  }
0x8c: {  	s17 =	sshll.u32 s0, $0xA;
	s2 =	sadd.s32 s3, s2  }
0x8d: {  	s2 =	sadd.s32 s2, s17  }
0x8e: {  	[smem:$0x3FC6] =	sst s2  }
0x8f: {  	_ = 	snop  }
0x90: {  	s2 =	sld [smem:$0x3FC8]  }
0x91: {  	s18 =	sld [smem:$0x3FD0];
	(tm) =	ssettm $0x1  }
0x92: {  	s4 =	sld [smem:$0x3FFB];
	_ =	sdelay $0x3  }
0x93: {  	_ =	strace s4  }
0x94: {  	s4 =	sld [smem:$0x3FFC];
	_ =	sdelay $0x3  }
0x95: {  	_ =	strace s4  }
0x96: {  	s4 =	sld [smem:$0x3FFD];
	_ =	sdelay $0x3  }
0x97: {  	_ =	strace s4  }
0x98: {  	_ =	strace $0x8FFFFFFF  }
0x99: {  	s19 =	sld [smem:$0x3FDB];
	_ =	sdelay $0x1  }
0x9a: {  	s5 =	simm.s32 $_scs_section_size  }
0x9b: {  	s6 =	simm.s32 $_size__tile_overlayer_lowered;
	s7 =	simm.s32 $_tile_overlayer_lowered  }
0x9c: {  	s22 =	simm.s32 $0x1BFF;
	s21 =	sshll.u32 s7, $0x1;
	s4 =	sadd.s32 s5, s19  }
0x9d: {  	s8 =	simm.s32 $0x0;
	s20 =	sshll.u32 s6, $0x1;
	s6 =	sadd.s32 s21, s4  }
0x9e: {  	[timem:s8], [sflag:s22] =	dma.local [hbm:s6], s20  }
0x9f: {  	_ =	swait.ge [sflag:s22], s20  }
0xa0: {  	s5 =	ssub.s32 $0x0, s20;
	[sflag:s22] =	ssyncset.done $0x0  }
0xa1: {  	[sflag:s22] =	ssyncadd.s32 s5;
	_ =	sdelay $0x1  }
0xa2: {  	s23 =	simm.s32 $0x1B8B  }
0xa3: {  	_ =	swait.ge [sflag:s23], $0x1  }
0xa4: {  	[sflag:s23] =	ssyncset.done $0x0  }
0xa5: {  	s25 =	simm.s32 $0x1B8E;
	s24 =	sld [smem:$0x3FFE];
	[sflag:s23] =	ssyncadd.s32 $0xFFFFFFFF  }
0xa6: {  	s26 =	simm.s32 $execute0_lowered;
	[smem:$0x3FD2] =	sst s25  }
0xa7: {  	s6 =	sshll.u32 s26, $0x1;
	_ =	strace $0x80000046;
	[dreg:$0x1] =	wrdreg $0xFFFFFFFF  }
0xa8: {  	s28 =	simm.s32 $_size_execute0_lowered;
	s4 =	sadd.s32 s4, s6;
	[dreg:$0x0] =	wrdreg $0x0  }
0xa9: {  	s6 =	sshll.u32 s28, $0x1;
	[dreg:$0x2] =	wrdreg s4  }
0xaa: {  	[dreg:$0x3] =	wrdreg s6  }
0xab: {  	[dreg:$0x4] =	wrdreg $0xC0  }
0xac: {  	_ =	task [dreg:s8], $0x5FFFF  }
0xad: {  	[dreg:$0x1] =	wrdreg $0xFFFFFFFF  }
0xae: {  	[dreg:$0x0] =	wrdreg $0x60  }
0xaf: {  	[dreg:$0x2] =	wrdreg s18  }
0xb0: {  	[dreg:$0x3] =	wrdreg s2  }
0xb1: {  	[dreg:$0x4] =	wrdreg s24  }
0xb2: {  	[dreg:$0x5] =	wrdreg $0x9  }
0xb3: {  	_ =	task.clear_ibuf [dreg:s8], $0x6FFFF;
	_ =	strace $0x90000046  }
0xb4: {  	s29 =	simm.s32 $0x9;
	_ =	strace $0x80000048  }
0xb5: {  	_ =	swait.ge [sflag:s29], $0x1  }
0xb6: {  	[sflag:s29] =	ssyncadd.s32 $0xFFFFFFFF  }
0xb7: {  	_ =	strace $0x90000048  }
0xb8: {  	_ =	sfence  }
0xb9: {  	s30 =	sld [smem:$0x0];
	_ =	sdelay $0x2  }
0xba: {  	s31 =	sshll.u32 s1, $0xD;
	s1 =	sshrl.u32 s1, $0x2  }
0xbb: {  	s3 =	sand.u32 $0x4000, s31;
	s1 =	sadd.s32 s1, s30  }
0xbc: {  	s0 =	sor.u32 s3, s0;
	s1 =	sshll.u32 s1, $0x11  }
0xbd: {  	s0 =	sor.u32 s1, s0  }
0xbe: {  	s0 =	sadd.s32 $0x8F2B, s0  }
0xbf: {  	[sflag:s0] =	ssyncadd.remote.s32 $0x1  }
0xc0: {  	_ =	sfence.sel $0xFFFF  }
0xc1: {  	[dreg:$0x0] =	wrdreg $0xFFFFFFFF;
	(pc) =	sbr.abs _section_cstart, $3  }
0xc2: {  	[dreg:$0x1] =	wrdreg $0xFFFFFFFF  }
0xc3: {  	_ =	task.clear_ibuf [dreg:s8], $0x2FFFF;
	_ =	strace $0x9FFFFFFF  }
0xc4: {  	(tm) =	ssettm $0x7FFFFFFF  }
0xc5: {  	_ =	shalt  }
tec
execute0_lowered:
.L_overlay_start_1:
0x0: {  	(tag) =	ssettag $0x1  }
0x1: {  	s0 =	rddreg [dreg:$0x0]  }
0x2: {  	s2 =	rddreg [dreg:$0x1];
	s1 =	srdreg.scid  }
0x3: {  	s4 =	rddreg [dreg:$0x2];
	s9 =	stileid.u32;
	s3 =	simm.s32 $0x0  }
0x4: {  	s28 =	simm.s32 $0xCC00;
	s30 =	simm.s32 $0xE800;
	s29 =	simm.s32 $0x4  }
0x5: {  	s31 =	simm.s32 $0xC;
	s1 =	sand.u32 $0x1, s1;
	s5 =	sshll.u32 s9, $0x8  }
0x6: {  	[smem:$0x7FF] =	sst s3;
	s10 =	sadd.s32 $0x400, s4;
	s22 =	smul.u32 $0x38000, s9  }
0x7: {  	s23 =	smul.u32 $0x1C0000, s9;
	s6 =	sshll.u32 s1, $0x7;
	s7 =	ssub.s32 $0x2, s1  }
0x8: {  	_ =	strace $0x80000047;
	[dreg:$0xc] =	wrdreg s10;
	s25 =	smul.u32 $0xE0000, s1  }
0x9: {  	s1 =	smul.u32 $0x1C000, s1;
	s5 =	sor.u32 s6, s5;
	s20 =	sshrl.u32 s7, $0x1  }
0xa: {  	s8 =	smul.u32 $0x1C00, s5;
	s4 =	ssub.s32 s7, s20;
	s5 =	sshll.u32 s5, $0x4  }
0xb: {  	s1 =	sadd.s32 s1, s22;
	s7 =	simm.s32 $0x6;
	s0 =	sadd.s32 s0, s5  }
0xc: {  	s5 =	sadd.s32 s25, s23;
	[dreg:$0x4] =	wrdreg s1;
	s1 =	simm.s32 $0x1  }
0xd: {  	s21 =	sshrl.u32 s8, $0x3;
	[dreg:$0xd] =	wrdreg s0;
	s13 =	sor.u32 $0x1C00, s5  }
0xe: {  	s15 =	sor.u32 $0x3800, s5;
	s17 =	sor.u32 $0x5400, s5;
	s19 =	sor.u32 $0x7000, s5  }
0xf: {  	s23 =	sor.u32 $0xA800, s5;
	s8 =	simm.s32 $0xE;
	s14 =	sshrl.u32 s13, $0x3  }
0x10: {  	s0 =	sadd.s32 s10, s21;
	s16 =	sshrl.u32 s15, $0x3;
	[dreg:$0x5] =	wrdreg s14  }
0x11: {  	s18 =	sshrl.u32 s17, $0x3;
	s20 =	sshrl.u32 s19, $0x3;
	[dreg:$0x6] =	wrdreg s16  }
0x12: {  	s21 =	sor.u32 $0x8C00, s5;
	s5 =	sor.u32 $0xC400, s5;
	[dreg:$0x7] =	wrdreg s18  }
0x13: {  	s13 =	simm.s32 $0x11;
	s6 =	sadd.s32 $0x1A400, s0;
	[dreg:$0x8] =	wrdreg s20  }
0x14: {  	s17 =	simm.s32 $0x4000;
	s24 =	sadd.s32 $0x1A780, s0;
	[dreg:$0xe] =	wrdreg s6  }
0x15: {  	s19 =	simm.s32 $0x5C00;
	s26 =	sadd.s32 $0x1AB00, s0;
	[dreg:$0xf] =	wrdreg s24  }
0x16: {  	s9 =	sadd.s32 $0x1AE80, s0;
	s10 =	sadd.s32 $0x1B200, s0;
	[dreg:$0x10] =	wrdreg s26  }
0x17: {  	s11 =	sadd.s32 $0x1B580, s0;
	s12 =	sadd.s32 $0x1B900, s0;
	[dreg:$0x11] =	wrdreg s9  }
0x18: {  	s22 =	sshrl.u32 s21, $0x3;
	s0 =	sadd.s32 $0x1BC80, s0;
	[dreg:$0x12] =	wrdreg s10  }
0x19: {  	s25 =	sshrl.u32 s5, $0x3;
	s16 =	simm.s32 $0x32;
	[dreg:$0x13] =	wrdreg s11  }
0x1a: {  	s21 =	simm.s32 $0x7800;
	s18 =	simm.s32 $0x9;
	[dreg:$0x14] =	wrdreg s12  }
0x1b: {  	s20 =	simm.s32 $0x2;
	s5 =	simm.s32 $0x5;
	[dreg:$0x9] =	wrdreg s22  }
0x1c: {  	s14 =	simm.s32 $0x0;
	s24 =	sshrl.u32 s23, $0x3;
	[dreg:$0x15] =	wrdreg s0  }
0x1d: {  	s26 =	smax.u32 s4, $0x1;
	[dreg:$0xb] =	wrdreg s25;
	s23 =	simm.s32 $0x9400  }
0x1e: {  	s25 =	simm.s32 $0xB000;
	s0 =	simm.s32 $0x10400;
	s22 =	simm.s32 $0xA  }
0x1f: {  	s6 =	simm.s32 $0xD;
	s9 =	simm.s32 $0x7;
	s10 =	simm.s32 $0xF  }
0x20: {  	s11 =	simm.s32 $0x8;
	s12 =	simm.s32 $0x10;
	[dreg:$0xa] =	wrdreg s24  }
0x21: {  	[dreg:$0x16] =	wrdreg s26;
	s24 =	simm.s32 $0x3;
	s26 =	simm.s32 $0xB  }
.LBB2_1:
0x22: {  	[dreg:$0x17] =	wrdreg s14  }
0x23: {  	s4 =	rddreg [dreg:$0xd]  }
0x24: {  	[tilespmem:s3], [sflag:$0x11] =	stream.linear.gather [hbm4b:s4+s3], $0x4000, $0x38;
	[tilespmem:$0x12000] =	vst v63  }
0x25: {  	_ =	swait.ge [sflag:s13], $0x4000  }
0x26: {  	[sflag:s13] =	ssyncset.done $0x0  }
0x27: {  	[sflag:s13] =	ssyncadd.s32 $0xFFFFC000  }
0x28: {  	[tilespmem:s17], [sflag:$0x1] =	stream.indirect.gather [hbm4b:s2+s16], $0x80, s3, s16, $0xb8;
	[tilespmem:$0x12000] =	vst v63  }
0x29: {  	s14 =	simm.s32 $0x80  }
0x2a: {  	[tilespmem:s19], [sflag:$0x2] =	stream.indirect.gather [hbm4b:s2+s16], $0x80, s14, s16, $0xb8;
	[tilespmem:$0x12000] =	vst v63  }
0x2b: {  	s15 =	simm.s32 $0x100  }
0x2c: {  	[tilespmem:s21], [sflag:$0x3] =	stream.indirect.gather [hbm4b:s2+s16], $0x80, s15, s16, $0xb8;
	[tilespmem:$0x12000] =	vst v63  }
0x2d: {  	s13 =	simm.s32 $0x180  }
0x2e: {  	[tilespmem:s23], [sflag:$0x4] =	stream.indirect.gather [hbm4b:s2+s16], $0x80, s13, s16, $0xb8;
	[tilespmem:$0x12000] =	vst v63  }
0x2f: {  	s14 =	simm.s32 $0x200  }
0x30: {  	[tilespmem:s25], [sflag:$0x5] =	stream.indirect.gather [hbm4b:s2+s16], $0x80, s14, s16, $0xb8;
	[tilespmem:$0x12000] =	vst v63  }
0x31: {  	s15 =	simm.s32 $0x280  }
0x32: {  	[tilespmem:s28], [sflag:$0x6] =	stream.indirect.gather [hbm4b:s2+s16], $0x80, s15, s16, $0xb8;
	[tilespmem:$0x12000] =	vst v63  }
0x33: {  	s13 =	simm.s32 $0x300  }
0x34: {  	[tilespmem:s30], [sflag:$0x7] =	stream.indirect.gather [hbm4b:s2+s16], $0x80, s13, s16, $0xb8;
	[tilespmem:$0x12000] =	vst v63  }
0x35: {  	s14 =	simm.s32 $0x380  }
0x36: {  	[tilespmem:s0], [sflag:$0x8] =	stream.indirect.gather [hbm4b:s2+s16], $0x80, s14, s16, $0xb8;
	[tilespmem:$0x12000] =	vst v63  }
0x37: {  	_ =	swait.ge [sflag:s1], $0x1900  }
0x38: {  	s15 =	rddreg [dreg:$0x4]  }
0x39: {  	[sflag:s1] =	ssyncset.done $0x0;
	s13 =	rddreg [dreg:$0xc]  }
0x3a: {  	[sflag:s1] =	ssyncadd.s32 $0xFFFFE700;
	s4 =	sadd.s32 s13, s15  }
0x3b: {  	[hbm4b:s4+s3] =	stream.linear.scatter [tilespmem:s17], [sflag:$0x9], $0x1900, $0x38;
	[tilespmem:$0x12000] =	vst v63  }
0x3c: {  	_ =	swait.ge [sflag:s18], $0x1900  }
0x3d: {  	[sflag:s18] =	ssyncset.done $0x0  }
0x3e: {  	s14 =	simm.s32 $0x400;
	[sflag:s18] =	ssyncadd.s32 $0xFFFFE700  }
0x3f: {  	[tilespmem:s17], [sflag:$0x1] =	stream.indirect.gather [hbm4b:s2+s16], $0x80, s14, s16, $0xb8;
	[tilespmem:$0x12000] =	vst v63  }
0x40: {  	_ =	swait.ge [sflag:s20], $0x1900  }
0x41: {  	s15 =	rddreg [dreg:$0x5];
	[sflag:s20] =	ssyncset.done $0x0  }
0x42: {  	[sflag:s20] =	ssyncadd.s32 $0xFFFFE700;
	s4 =	sadd.s32 s13, s15  }
0x43: {  	[hbm4b:s4+s3] =	stream.linear.scatter [tilespmem:s19], [sflag:$0xA], $0x1900, $0x38;
	[tilespmem:$0x12000] =	vst v63  }
0x44: {  	_ =	swait.ge [sflag:s22], $0x1900  }
0x45: {  	[sflag:s22] =	ssyncset.done $0x0  }
0x46: {  	s14 =	simm.s32 $0x480;
	[sflag:s22] =	ssyncadd.s32 $0xFFFFE700  }
0x47: {  	[tilespmem:s19], [sflag:$0x2] =	stream.indirect.gather [hbm4b:s2+s16], $0x80, s14, s16, $0xb8;
	[tilespmem:$0x12000] =	vst v63  }
0x48: {  	_ =	swait.ge [sflag:s24], $0x1900  }
0x49: {  	s15 =	rddreg [dreg:$0x6];
	[sflag:s24] =	ssyncset.done $0x0  }
0x4a: {  	[sflag:s24] =	ssyncadd.s32 $0xFFFFE700;
	s4 =	sadd.s32 s13, s15  }
0x4b: {  	[hbm4b:s4+s3] =	stream.linear.scatter [tilespmem:s21], [sflag:$0xB], $0x1900, $0x38;
	[tilespmem:$0x12000] =	vst v63  }
0x4c: {  	_ =	swait.ge [sflag:s26], $0x1900  }
0x4d: {  	[sflag:s26] =	ssyncset.done $0x0  }
0x4e: {  	s14 =	simm.s32 $0x500;
	[sflag:s26] =	ssyncadd.s32 $0xFFFFE700  }
0x4f: {  	[tilespmem:s21], [sflag:$0x3] =	stream.indirect.gather [hbm4b:s2+s16], $0x80, s14, s16, $0xb8;
	[tilespmem:$0x12000] =	vst v63  }
0x50: {  	_ =	swait.ge [sflag:s29], $0x1900  }
0x51: {  	s15 =	rddreg [dreg:$0x7];
	[sflag:s29] =	ssyncset.done $0x0  }
0x52: {  	[sflag:s29] =	ssyncadd.s32 $0xFFFFE700;
	s4 =	sadd.s32 s13, s15  }
0x53: {  	[hbm4b:s4+s3] =	stream.linear.scatter [tilespmem:s23], [sflag:$0xC], $0x1900, $0x38;
	[tilespmem:$0x12000] =	vst v63  }
0x54: {  	_ =	swait.ge [sflag:s31], $0x1900  }
0x55: {  	[sflag:s31] =	ssyncset.done $0x0  }
0x56: {  	s14 =	simm.s32 $0x580;
	[sflag:s31] =	ssyncadd.s32 $0xFFFFE700  }
0x57: {  	[tilespmem:s23], [sflag:$0x4] =	stream.indirect.gather [hbm4b:s2+s16], $0x80, s14, s16, $0xb8;
	[tilespmem:$0x12000] =	vst v63  }
0x58: {  	_ =	swait.ge [sflag:s5], $0x1900  }
0x59: {  	s15 =	rddreg [dreg:$0x8];
	[sflag:s5] =	ssyncset.done $0x0  }
0x5a: {  	[sflag:s5] =	ssyncadd.s32 $0xFFFFE700;
	s4 =	sadd.s32 s13, s15  }
0x5b: {  	[hbm4b:s4+s3] =	stream.linear.scatter [tilespmem:s25], [sflag:$0xD], $0x1900, $0x38;
	[tilespmem:$0x12000] =	vst v63  }
0x5c: {  	_ =	swait.ge [sflag:s6], $0x1900  }
0x5d: {  	[sflag:s6] =	ssyncset.done $0x0  }
0x5e: {  	s14 =	simm.s32 $0x600;
	[sflag:s6] =	ssyncadd.s32 $0xFFFFE700  }
0x5f: {  	[tilespmem:s25], [sflag:$0x5] =	stream.indirect.gather [hbm4b:s2+s16], $0x80, s14, s16, $0xb8;
	[tilespmem:$0x12000] =	vst v63  }
0x60: {  	_ =	swait.ge [sflag:s7], $0x1900  }
0x61: {  	s15 =	rddreg [dreg:$0x9];
	[sflag:s7] =	ssyncset.done $0x0  }
0x62: {  	[sflag:s7] =	ssyncadd.s32 $0xFFFFE700;
	s4 =	sadd.s32 s13, s15  }
0x63: {  	[hbm4b:s4+s3] =	stream.linear.scatter [tilespmem:s28], [sflag:$0xE], $0x1900, $0x38;
	[tilespmem:$0x12000] =	vst v63  }
0x64: {  	_ =	swait.ge [sflag:s8], $0x1900  }
0x65: {  	[sflag:s8] =	ssyncset.done $0x0  }
0x66: {  	s14 =	simm.s32 $0x680;
	[sflag:s8] =	ssyncadd.s32 $0xFFFFE700  }
0x67: {  	[tilespmem:s28], [sflag:$0x6] =	stream.indirect.gather [hbm4b:s2+s16], $0x80, s14, s16, $0xb8;
	[tilespmem:$0x12000] =	vst v63  }
0x68: {  	_ =	swait.ge [sflag:s9], $0x1900  }
0x69: {  	s15 =	rddreg [dreg:$0xa];
	[sflag:s9] =	ssyncset.done $0x0  }
0x6a: {  	[sflag:s9] =	ssyncadd.s32 $0xFFFFE700;
	s4 =	sadd.s32 s13, s15  }
0x6b: {  	[hbm4b:s4+s3] =	stream.linear.scatter [tilespmem:s30], [sflag:$0xF], $0x1900, $0x38;
	[tilespmem:$0x12000] =	vst v63  }
0x6c: {  	_ =	swait.ge [sflag:s10], $0x1900  }
0x6d: {  	[sflag:s10] =	ssyncset.done $0x0  }
0x6e: {  	s14 =	simm.s32 $0x700;
	[sflag:s10] =	ssyncadd.s32 $0xFFFFE700  }
0x6f: {  	[tilespmem:s30], [sflag:$0x7] =	stream.indirect.gather [hbm4b:s2+s16], $0x80, s14, s16, $0xb8;
	[tilespmem:$0x12000] =	vst v63  }
0x70: {  	_ =	swait.ge [sflag:s11], $0x1900  }
0x71: {  	s15 =	rddreg [dreg:$0xb];
	[sflag:s11] =	ssyncset.done $0x0  }
0x72: {  	[sflag:s11] =	ssyncadd.s32 $0xFFFFE700;
	s4 =	sadd.s32 s13, s15  }
0x73: {  	[hbm4b:s4+s3] =	stream.linear.scatter [tilespmem:s0], [sflag:$0x10], $0x1900, $0x38;
	[tilespmem:$0x12000] =	vst v63  }
0x74: {  	_ =	swait.ge [sflag:s12], $0x1900  }
0x75: {  	s14 =	simm.s32 $0x1000;
	[sflag:s12] =	ssyncset.done $0x0  }
0x76: {  	s13 =	sadd.s32 $0x1C00, s13;
	s4 =	simm.s32 $0x780;
	[sflag:s12] =	ssyncadd.s32 $0xFFFFE700  }
.LBB2_2:
0x77: {  	[tilespmem:s0], [sflag:$0x8] =	stream.indirect.gather [hbm4b:s2+s16], $0x80, s4, s16, $0xb8;
	[tilespmem:$0x12000] =	vst v63  }
0x78: {  	_ =	swait.ge [sflag:s1], $0x1900  }
0x79: {  	s15 =	rddreg [dreg:$0x4];
	[sflag:s1] =	ssyncset.done $0x0  }
0x7a: {  	[sflag:s1] =	ssyncadd.s32 $0xFFFFE700;
	s15 =	sadd.s32 s13, s15  }
0x7b: {  	[hbm4b:s15+s3] =	stream.linear.scatter [tilespmem:s17], [sflag:$0x9], $0x1900, $0x38;
	[tilespmem:$0x12000] =	vst v63  }
0x7c: {  	s4 =	smov.u32 s14;
	_ =	swait.ge [sflag:s18], $0x1900  }
0x7d: {  	s4 =	sshra.s32 s4, $0x2;
	[sflag:s18] =	ssyncset.done $0x0  }
0x7e: {  	s15 =	sadd.s32 $0x400, s4;
	[sflag:s18] =	ssyncadd.s32 $0xFFFFE700  }
0x7f: {  	[tilespmem:s17], [sflag:$0x1] =	stream.indirect.gather [hbm4b:s2+s16], $0x80, s15, s16, $0xb8;
	[tilespmem:$0x12000] =	vst v63  }
0x80: {  	_ =	swait.ge [sflag:s20], $0x1900  }
0x81: {  	s15 =	rddreg [dreg:$0x5];
	[sflag:s20] =	ssyncset.done $0x0  }
0x82: {  	[sflag:s20] =	ssyncadd.s32 $0xFFFFE700;
	s15 =	sadd.s32 s13, s15  }
0x83: {  	[hbm4b:s15+s3] =	stream.linear.scatter [tilespmem:s19], [sflag:$0xA], $0x1900, $0x38;
	[tilespmem:$0x12000] =	vst v63  }
0x84: {  	_ =	swait.ge [sflag:s22], $0x1900  }
0x85: {  	[sflag:s22] =	ssyncset.done $0x0  }
0x86: {  	s15 =	sadd.s32 $0x480, s4;
	[sflag:s22] =	ssyncadd.s32 $0xFFFFE700  }
0x87: {  	[tilespmem:s19], [sflag:$0x2] =	stream.indirect.gather [hbm4b:s2+s16], $0x80, s15, s16, $0xb8;
	[tilespmem:$0x12000] =	vst v63  }
0x88: {  	_ =	swait.ge [sflag:s24], $0x1900  }
0x89: {  	s15 =	rddreg [dreg:$0x6];
	[sflag:s24] =	ssyncset.done $0x0  }
0x8a: {  	[sflag:s24] =	ssyncadd.s32 $0xFFFFE700;
	s15 =	sadd.s32 s13, s15  }
0x8b: {  	[hbm4b:s15+s3] =	stream.linear.scatter [tilespmem:s21], [sflag:$0xB], $0x1900, $0x38;
	[tilespmem:$0x12000] =	vst v63  }
0x8c: {  	_ =	swait.ge [sflag:s26], $0x1900  }
0x8d: {  	[sflag:s26] =	ssyncset.done $0x0  }
0x8e: {  	s15 =	sadd.s32 $0x500, s4;
	[sflag:s26] =	ssyncadd.s32 $0xFFFFE700  }
0x8f: {  	[tilespmem:s21], [sflag:$0x3] =	stream.indirect.gather [hbm4b:s2+s16], $0x80, s15, s16, $0xb8;
	[tilespmem:$0x12000] =	vst v63  }
0x90: {  	_ =	swait.ge [sflag:s29], $0x1900  }
0x91: {  	s15 =	rddreg [dreg:$0x7];
	[sflag:s29] =	ssyncset.done $0x0  }
0x92: {  	[sflag:s29] =	ssyncadd.s32 $0xFFFFE700;
	s15 =	sadd.s32 s13, s15  }
0x93: {  	[hbm4b:s15+s3] =	stream.linear.scatter [tilespmem:s23], [sflag:$0xC], $0x1900, $0x38;
	[tilespmem:$0x12000] =	vst v63  }
0x94: {  	_ =	swait.ge [sflag:s31], $0x1900  }
0x95: {  	[sflag:s31] =	ssyncset.done $0x0  }
0x96: {  	s15 =	sadd.s32 $0x580, s4;
	[sflag:s31] =	ssyncadd.s32 $0xFFFFE700  }
0x97: {  	[tilespmem:s23], [sflag:$0x4] =	stream.indirect.gather [hbm4b:s2+s16], $0x80, s15, s16, $0xb8;
	[tilespmem:$0x12000] =	vst v63  }
0x98: {  	_ =	swait.ge [sflag:s5], $0x1900  }
0x99: {  	s15 =	rddreg [dreg:$0x8];
	[sflag:s5] =	ssyncset.done $0x0  }
0x9a: {  	[sflag:s5] =	ssyncadd.s32 $0xFFFFE700;
	s15 =	sadd.s32 s13, s15  }
0x9b: {  	[hbm4b:s15+s3] =	stream.linear.scatter [tilespmem:s25], [sflag:$0xD], $0x1900, $0x38;
	[tilespmem:$0x12000] =	vst v63  }
0x9c: {  	_ =	swait.ge [sflag:s6], $0x1900  }
0x9d: {  	[sflag:s6] =	ssyncset.done $0x0  }
0x9e: {  	s15 =	sadd.s32 $0x600, s4;
	[sflag:s6] =	ssyncadd.s32 $0xFFFFE700  }
0x9f: {  	[tilespmem:s25], [sflag:$0x5] =	stream.indirect.gather [hbm4b:s2+s16], $0x80, s15, s16, $0xb8;
	[tilespmem:$0x12000] =	vst v63  }
0xa0: {  	_ =	swait.ge [sflag:s7], $0x1900  }
0xa1: {  	s15 =	rddreg [dreg:$0x9];
	[sflag:s7] =	ssyncset.done $0x0  }
0xa2: {  	[sflag:s7] =	ssyncadd.s32 $0xFFFFE700;
	s15 =	sadd.s32 s13, s15  }
0xa3: {  	[hbm4b:s15+s3] =	stream.linear.scatter [tilespmem:s28], [sflag:$0xE], $0x1900, $0x38;
	[tilespmem:$0x12000] =	vst v63  }
0xa4: {  	_ =	swait.ge [sflag:s8], $0x1900  }
0xa5: {  	[sflag:s8] =	ssyncset.done $0x0  }
0xa6: {  	s15 =	sadd.s32 $0x680, s4;
	[sflag:s8] =	ssyncadd.s32 $0xFFFFE700  }
0xa7: {  	[tilespmem:s28], [sflag:$0x6] =	stream.indirect.gather [hbm4b:s2+s16], $0x80, s15, s16, $0xb8;
	[tilespmem:$0x12000] =	vst v63  }
0xa8: {  	_ =	swait.ge [sflag:s9], $0x1900  }
0xa9: {  	s15 =	rddreg [dreg:$0xa];
	[sflag:s9] =	ssyncset.done $0x0  }
0xaa: {  	[sflag:s9] =	ssyncadd.s32 $0xFFFFE700;
	s15 =	sadd.s32 s13, s15  }
0xab: {  	[hbm4b:s15+s3] =	stream.linear.scatter [tilespmem:s30], [sflag:$0xF], $0x1900, $0x38;
	[tilespmem:$0x12000] =	vst v63  }
0xac: {  	_ =	swait.ge [sflag:s10], $0x1900  }
0xad: {  	[sflag:s10] =	ssyncset.done $0x0  }
0xae: {  	s15 =	sadd.s32 $0x700, s4;
	[sflag:s10] =	ssyncadd.s32 $0xFFFFE700  }
0xaf: {  	[tilespmem:s30], [sflag:$0x7] =	stream.indirect.gather [hbm4b:s2+s16], $0x80, s15, s16, $0xb8;
	[tilespmem:$0x12000] =	vst v63  }
0xb0: {  	_ =	swait.ge [sflag:s11], $0x1900  }
0xb1: {  	p0 =	sne.s32 s14, $0xE000;
	s15 =	rddreg [dreg:$0xb];
	[sflag:s11] =	ssyncset.done $0x0  }
.Ltmp0:
0xb2: {  	[sflag:s11] =	ssyncadd.s32 $0xFFFFE700;
	s15 =	sadd.s32 s13, s15;
	(pc) =	sbr.rel @p0 .LBB2_2-.Ltmp0, $4  }
0xb3: {  	[hbm4b:s15+s3] =	stream.linear.scatter [tilespmem:s0], [sflag:$0x10], $0x1900, $0x38;
	[tilespmem:$0x12000] =	vst v63  }
0xb4: {  	_ =	swait.ge [sflag:s12], $0x1900  }
0xb5: {  	s14 =	sadd.s32 $0x1000, s14;
	[sflag:s12] =	ssyncset.done $0x0  }
0xb6: {  	s4 =	sadd.s32 $0x780, s4;
	s13 =	sadd.s32 $0x1C00, s13;
	[sflag:s12] =	ssyncadd.s32 $0xFFFFE700  }
0xb7: {  	[tilespmem:s0], [sflag:$0x8] =	stream.indirect.gather [hbm4b:s2+s16], $0x80, s4, s16, $0xb8;
	[tilespmem:$0x12000] =	vst v63  }
0xb8: {  	_ =	swait.ge [sflag:s1], $0x1900  }
0xb9: {  	[sflag:s1] =	ssyncset.done $0x0  }
0xba: {  	s13 =	rddreg [dreg:$0xe];
	[sflag:s1] =	ssyncadd.s32 $0xFFFFE700  }
0xbb: {  	[hbm4b:s13+s3] =	stream.linear.scatter [tilespmem:s17], [sflag:$0x11], $0x1900, $0x38;
	[tilespmem:$0x12000] =	vst v63  }
0xbc: {  	s13 =	simm.s32 $0x11  }
0xbd: {  	_ =	swait.ge [sflag:s13], $0x1900  }
0xbe: {  	[sflag:s13] =	ssyncset.done $0x0  }
0xbf: {  	[sflag:s13] =	ssyncadd.s32 $0xFFFFE700  }
0xc0: {  	_ =	swait.ge [sflag:s20], $0x1900  }
0xc1: {  	[sflag:s20] =	ssyncset.done $0x0  }
0xc2: {  	s14 =	rddreg [dreg:$0xf];
	[sflag:s20] =	ssyncadd.s32 $0xFFFFE700  }
0xc3: {  	[hbm4b:s14+s3] =	stream.linear.scatter [tilespmem:s19], [sflag:$0x11], $0x1900, $0x38;
	[tilespmem:$0x12000] =	vst v63  }
0xc4: {  	_ =	swait.ge [sflag:s13], $0x1900  }
0xc5: {  	[sflag:s13] =	ssyncset.done $0x0  }
0xc6: {  	[sflag:s13] =	ssyncadd.s32 $0xFFFFE700  }
0xc7: {  	_ =	swait.ge [sflag:s24], $0x1900  }
0xc8: {  	[sflag:s24] =	ssyncset.done $0x0  }
0xc9: {  	s15 =	rddreg [dreg:$0x10];
	[sflag:s24] =	ssyncadd.s32 $0xFFFFE700  }
0xca: {  	[hbm4b:s15+s3] =	stream.linear.scatter [tilespmem:s21], [sflag:$0x11], $0x1900, $0x38;
	[tilespmem:$0x12000] =	vst v63  }
0xcb: {  	_ =	swait.ge [sflag:s13], $0x1900  }
0xcc: {  	[sflag:s13] =	ssyncset.done $0x0  }
0xcd: {  	[sflag:s13] =	ssyncadd.s32 $0xFFFFE700  }
0xce: {  	_ =	swait.ge [sflag:s29], $0x1900  }
0xcf: {  	[sflag:s29] =	ssyncset.done $0x0  }
0xd0: {  	s14 =	rddreg [dreg:$0x11];
	[sflag:s29] =	ssyncadd.s32 $0xFFFFE700  }
0xd1: {  	[hbm4b:s14+s3] =	stream.linear.scatter [tilespmem:s23], [sflag:$0x11], $0x1900, $0x38;
	[tilespmem:$0x12000] =	vst v63  }
0xd2: {  	_ =	swait.ge [sflag:s13], $0x1900  }
0xd3: {  	[sflag:s13] =	ssyncset.done $0x0  }
0xd4: {  	[sflag:s13] =	ssyncadd.s32 $0xFFFFE700  }
0xd5: {  	_ =	swait.ge [sflag:s5], $0x1900  }
0xd6: {  	[sflag:s5] =	ssyncset.done $0x0  }
0xd7: {  	s15 =	rddreg [dreg:$0x12];
	[sflag:s5] =	ssyncadd.s32 $0xFFFFE700  }
0xd8: {  	[hbm4b:s15+s3] =	stream.linear.scatter [tilespmem:s25], [sflag:$0x11], $0x1900, $0x38;
	[tilespmem:$0x12000] =	vst v63  }
0xd9: {  	_ =	swait.ge [sflag:s13], $0x1900  }
0xda: {  	[sflag:s13] =	ssyncset.done $0x0  }
0xdb: {  	[sflag:s13] =	ssyncadd.s32 $0xFFFFE700  }
0xdc: {  	_ =	swait.ge [sflag:s7], $0x1900  }
0xdd: {  	[sflag:s7] =	ssyncset.done $0x0  }
0xde: {  	s14 =	rddreg [dreg:$0x13];
	[sflag:s7] =	ssyncadd.s32 $0xFFFFE700  }
0xdf: {  	[hbm4b:s14+s3] =	stream.linear.scatter [tilespmem:s28], [sflag:$0x11], $0x1900, $0x38;
	[tilespmem:$0x12000] =	vst v63  }
0xe0: {  	_ =	swait.ge [sflag:s13], $0x1900  }
0xe1: {  	[sflag:s13] =	ssyncset.done $0x0  }
0xe2: {  	[sflag:s13] =	ssyncadd.s32 $0xFFFFE700  }
0xe3: {  	_ =	swait.ge [sflag:s9], $0x1900  }
0xe4: {  	[sflag:s9] =	ssyncset.done $0x0  }
0xe5: {  	s15 =	rddreg [dreg:$0x14];
	[sflag:s9] =	ssyncadd.s32 $0xFFFFE700  }
0xe6: {  	[hbm4b:s15+s3] =	stream.linear.scatter [tilespmem:s30], [sflag:$0x11], $0x1900, $0x38;
	[tilespmem:$0x12000] =	vst v63  }
0xe7: {  	_ =	swait.ge [sflag:s13], $0x1900  }
0xe8: {  	[sflag:s13] =	ssyncset.done $0x0  }
0xe9: {  	[sflag:s13] =	ssyncadd.s32 $0xFFFFE700  }
0xea: {  	_ =	swait.ge [sflag:s11], $0x1900  }
0xeb: {  	[sflag:s11] =	ssyncset.done $0x0  }
0xec: {  	s14 =	rddreg [dreg:$0x15];
	[sflag:s11] =	ssyncadd.s32 $0xFFFFE700  }
0xed: {  	[hbm4b:s14+s3] =	stream.linear.scatter [tilespmem:s0], [sflag:$0x11], $0x1900, $0x38;
	[tilespmem:$0x12000] =	vst v63  }
0xee: {  	_ =	swait.ge [sflag:s13], $0x1900  }
0xef: {  	s14 =	rddreg [dreg:$0x17]  }
0xf0: {  	s15 =	rddreg [dreg:$0x16];
	s14 =	sadd.s32 $0x1, s14  }
0xf1: {  	p0 =	sne.s32 s14, s15  }
.Ltmp1:
0xf2: {  	_ = 	snop;
	(pc) =	sbr.rel @p0 .LBB2_1-.Ltmp1, $3  }
0xf3: {  	_ =	sdelay $0x1  }
0xf4: {  	[sflag:s13] =	ssyncset.done $0x0  }
0xf5: {  	[sflag:s13] =	ssyncadd.s32 $0xFFFFE700  }
0xf6: {  	_ =	sfence.sel $0x180000  }
0xf7: {  	[bflag:$0x0] =	sbarrier.arrive $0xFFFF  }
0xf8: {  	_ =	strace $0x90000047  }
0xf9: {  	s0 =	stileid.u32;
	[bflag:$0x2] =	sbarrier.arrive $0xFFFF  }
0xfa: {  	p0 =	sne.s32 s0, $0x0;
	s0 =	rddreg [dreg:$0x3]  }
0xfb: {  	s0 =	sadd.s32 @!p0 $0x100000, s0  }
0xfc: {  	[sflag:s0] =	ssyncadd.tile.s32 @!p0 $0x1;
	_ =	shalt  }
.Lfunc_end2:
_tile_overlayer_lowered:
.L_overlay_start_2:
0xfd: {  	(tag) =	ssettag $0x2  }
0xfe: {  	s0 =	rddreg [dreg:$0x0];
	s2 =	stileid.u32  }
0xff: {  	s1 =	rddreg [dreg:$0x1];
	p0 =	sne.s32 s2, $0x0  }
0x100: {  	s3 =	rddreg [dreg:$0x2];
	[bflag:$0x3] =	sbarrier.arrive $0xFFFF;
	s2 =	simm.s32 @!p0 $0x1C11  }
0x101: {  	[timem:s3], [sflag:s2] =	dma.local @!p0 [hbm:s0], s1  }
0x102: {  	s0 =	simm.s32 @!p0 $0x11  }
0x103: {  	_ =	swait.ge @!p0 [sflag:s0], s1  }
0x104: {  	s1 =	ssub.s32 @!p0 $0x0, s1;
	[sflag:s0] =	ssyncset.done @!p0 $0x0  }
0x105: {  	[sflag:s0] =	ssyncadd.s32 @!p0 s1  }
0x106: {  	[bflag:$0x3] =	sbarrier.arrive $0xFFFF  }
0x107: {  	_ =	shalt  }

</sc_bundles>
